<compile_context>
chip_gen: v7x
topology: tpu7x:2x2x1
jax: 0.10.2.dev20260603
libtpu: 0.0.44.dev20260713+nightly
codegen_flags: <defaults>
</compile_context>

<pallas_src>
import functools

import jax
import jax.numpy as jnp
from jax import lax
from jax.experimental import pallas as pl
from jax.experimental.pallas import tpu as pltpu
from jax.experimental.pallas import tpu_sc as plsc

N = 10000
C = 10000
E = 320000
D = 128

NC = 2
NS = 16
NW = NC * NS

K = 128
NCH = E // K
FULL = NCH // NW
REM = NCH % NW
ROWS_PER_TILE = 632
CPAD = NS * ROWS_PER_TILE


def _sc_body(x_hbm, inc_hbm, zeros_hbm, out_hbm,
             idx, rows, acc, semA, semB):
    cid = lax.axis_index("c")
    sid = lax.axis_index("s")
    wid = sid * NC + cid

    def chunk_off(c):
        return (c * NW + wid) * K

    semg = (semA, semB)

    def idx_load(c, slot):
        pltpu.sync_copy(inc_hbm.at[:, pl.ds(chunk_off(c), K)], idx.at[slot])

    def gather(slot):
        pltpu.async_copy(x_hbm.at[idx.at[slot, 0]], rows.at[slot], semg[slot])

    def gather_drain(slot):
        pltpu.make_async_copy(x_hbm.at[pl.ds(0, K)], rows.at[slot],
                              semg[slot]).wait()

    def scatter(slot):
        pltpu.sync_copy(rows.at[slot], acc.at[idx.at[slot, 1]], add=True)

    NP = FULL // 2
    r0 = sid * ROWS_PER_TILE
    z = pltpu.async_copy(zeros_hbm, acc.at[pl.ds(r0, ROWS_PER_TILE)], semB)
    idx_load(0, 0)
    gather(0)
    idx_load(1, 1)
    z.wait()
    plsc.subcore_barrier()

    def pair(t, carry):
        gather(1)
        gather_drain(0)
        scatter(0)

        @pl.when(t < NP - 1)
        def _():
            idx_load(2 * t + 2, 0)
            gather(0)

        gather_drain(1)
        scatter(1)

        @pl.when(t < NP - 1)
        def _():
            idx_load(2 * t + 3, 1)

        return carry

    lax.fori_loop(0, NP, pair, jnp.int32(0))

    @pl.when(wid < REM)
    def _():
        b = (FULL * NW + wid) * K
        pltpu.sync_copy(inc_hbm.at[:, pl.ds(b, K)], idx.at[0])
        pltpu.async_copy(x_hbm.at[idx.at[0, 0]], rows.at[0], semA).wait()
        pltpu.sync_copy(rows.at[0], acc.at[idx.at[0, 1]], add=True)
    plsc.subcore_barrier()

    pltpu.sync_copy(acc.at[pl.ds(r0, ROWS_PER_TILE)],
                    out_hbm.at[cid, pl.ds(r0, ROWS_PER_TILE)])


_sc_segment_sum = functools.partial(
    pl.kernel,
    out_type=jax.ShapeDtypeStruct((NC, CPAD, D), jnp.float32),
    mesh=plsc.VectorSubcoreMesh(
        core_axis_name="c", subcore_axis_name="s", num_cores=NC, num_subcores=NS
    ),
    scratch_types=[
        pltpu.VMEM((2, 2, K), jnp.int32),
        pltpu.VMEM((2, K, D), jnp.float32),
        pltpu.VMEM_SHARED((CPAD, D), jnp.float32),
        pltpu.SemaphoreType.DMA,
        pltpu.SemaphoreType.DMA,
    ],
)(_sc_body)


BC = 2000


def _mlp_body(p_ref, w1_ref, b1_ref, w2_ref, b2_ref, o_ref):
    a = p_ref[0] + p_ref[1]
    h = jnp.dot(a, w1_ref[...], preferred_element_type=jnp.float32) + b1_ref[...]
    h = jnp.maximum(h, 0.0)
    o_ref[...] = (
        jnp.dot(h, w2_ref[...], preferred_element_type=jnp.float32) + b2_ref[...]
    )


_mlp = pl.pallas_call(
    _mlp_body,
    grid=(C // BC,),
    in_specs=[
        pl.BlockSpec((NC, BC, D), lambda i: (0, i, 0)),
        pl.BlockSpec((D, D), lambda i: (0, 0)),
        pl.BlockSpec((1, D), lambda i: (0, 0)),
        pl.BlockSpec((D, D), lambda i: (0, 0)),
        pl.BlockSpec((1, D), lambda i: (0, 0)),
    ],
    out_specs=pl.BlockSpec((BC, D), lambda i: (i, 0)),
    out_shape=jax.ShapeDtypeStruct((C, D), jnp.float32),
)


def kernel(x, incidence_index, W1, b1, W2, b2, eps):
    inc = incidence_index.astype(jnp.int32)
    zeros = jnp.zeros((ROWS_PER_TILE, D), dtype=jnp.float32)
    partials = _sc_segment_sum(x, inc, zeros)
    w1s = W1 * (1.0 + eps)
    return _mlp(partials, w1s, b1.reshape(1, D), W2, b2.reshape(1, D))

# --- scband reference (transcript-rebuilt; emitter-appended) ---
"""Pipeline reference for scband-two-cell-embedding-6227702579792 (READ-ONLY COPY).

The authoritative reference and input builder live on the scoring server;
editing this copy changes nothing except your own understanding.
"""

import jax, jax.numpy as jnp
import numpy as np

N = 10000   # rank-0 cells (nodes)
C = 10000   # rank-2 cells
E = 320000  # incidence entries
D = 128     # embedding_dim


def setup_inputs(seed: int = 0) -> dict:
    key = jax.random.key(seed)
    ks = jax.random.split(key, 8)
    x = jax.random.normal(ks[0], (N, D), dtype=jnp.float32)
    src = jax.random.randint(ks[1], (E,), 0, N)
    dst = jax.random.randint(ks[2], (E,), 0, C)
    incidence_index = jnp.stack([src, dst], axis=0)
    s = 1.0 / np.sqrt(D)
    W1 = jax.random.normal(ks[3], (D, D), dtype=jnp.float32) * s
    b1 = jnp.zeros((D,), dtype=jnp.float32)
    W2 = jax.random.normal(ks[4], (D, D), dtype=jnp.float32) * s
    b2 = jnp.zeros((D,), dtype=jnp.float32)
    eps = jnp.zeros((), dtype=jnp.float32)  # learned eps, init 0
    return {"x": x, "incidence_index": incidence_index,
            "W1": W1, "b1": b1, "W2": W2, "b2": b2, "eps": eps}


def reference(x, incidence_index, W1, b1, W2, b2, eps):
    # IncidenceConv(input_rank=0, output_rank=2): aggregate node features onto
    # 2-cells via the boundary incidence index, then apply a 2-layer MLP with a
    # learned (1 + eps) scaling (GIN-style, train_eps=True since learned=True).
    src = incidence_index[0]
    dst = incidence_index[1]
    msgs = jnp.take(x, src, axis=0)                       # gather [E, D]
    agg = jax.ops.segment_sum(msgs, dst, num_segments=C)  # scatter-add [C, D]
    h = (1.0 + eps) * agg
    h = jax.nn.relu(h @ W1 + b1)
    out = h @ W2 + b2
    return out

if __name__ == "__main__":
    import jax
    _d = setup_inputs()
    print(jax.jit(kernel)(*tuple(_d.values())))

</pallas_src>

<mosaic_0001>
#map = affine_map<(d0, d1) -> (0, 0)>
#map1 = affine_map<(d0, d1) -> (0, 0, 0)>
module attributes {stable_mosaic.version = 14 : i64} {
  func.func @_sc_body(%arg0: i32, %arg1: i32, %arg2: memref<10000x128xf32, #tpu.memory_space<hbm>>, %arg3: memref<2x320000xi32, #tpu.memory_space<hbm>>, %arg4: memref<632x128xf32, #tpu.memory_space<hbm>>, %arg5: memref<2x10112x128xf32, #tpu.memory_space<hbm>>, %arg6: memref<2x2x128xi32, #tpu.memory_space<vmem>>, %arg7: memref<2x128x128xf32, #tpu.memory_space<vmem>>, %arg8: memref<10112x128xf32, #tpu.memory_space<vmem_shared>>, %arg9: memref<!tpu.dma_semaphore, #tpu.memory_space<semaphore_mem>>, %arg10: memref<!tpu.dma_semaphore, #tpu.memory_space<semaphore_mem>>) attributes {dimension_semantics = [#tpu.dimension_semantics<core_parallel>, #tpu.dimension_semantics<subcore_parallel>], iteration_bounds = array<i64: 2, 16>, scalar_prefetch = 0 : i64, scratch_operands = 5 : i64, tpu.core_type = #tpu.core_type<sc_vector_subcore>, window_params = [{transform_indices = #map}, {transform_indices = #map}, {transform_indices = #map}, {transform_indices = #map1}]} {
    %mul3A = arith.constant 2 : i32
    %mul3A_0 = arith.muli %arg1, %mul3A : i32
    %add3A = arith.addi %mul3A_0, %arg0 : i32
    %mul3A_1 = arith.constant 632 : i32
    %mul3A_2 = arith.muli %arg1, %mul3A_1 : i32
    %dma_start3A = arith.constant 0 : i32
    %dma_start3A_3 = tpu.memref_slice %arg8[%mul3A_2, %dma_start3A] : memref<10112x128xf32, #tpu.memory_space<vmem_shared>> -> memref<632x128xf32, #tpu.memory_space<vmem_shared>>
    tpu.enqueue_dma source(%arg4 : memref<632x128xf32, #tpu.memory_space<hbm>>) target(%dma_start3A_3 : memref<632x128xf32, #tpu.memory_space<vmem_shared>>) target_semaphore(%arg10 : memref<!tpu.dma_semaphore, #tpu.memory_space<semaphore_mem>>)
    %add3A_4 = arith.constant 0 : i32
    %add3A_5 = arith.addi %add3A_4, %add3A : i32
    %mul3A_6 = arith.constant 128 : i32
    %mul3A_7 = arith.muli %add3A_5, %mul3A_6 : i32
    %run_scoped3A = arith.constant 0 : i32
    "tpu.region"() ({
      %run_scoped3A_35 = tpu.sem_alloc : memref<!tpu.dma_semaphore, #tpu.memory_space<semaphore_mem>>
      %dma_start3A_36 = arith.constant 0 : i32
      %dma_start3A_37 = arith.constant 0 : i32
      %dma_start3A_38 = tpu.memref_slice %arg6[%run_scoped3A, %dma_start3A_36, %dma_start3A_37] : memref<2x2x128xi32, #tpu.memory_space<vmem>> -> memref<1x2x128xi32, #tpu.memory_space<vmem>>
      %dma_start3A_39 = tpu.memref_squeeze %dma_start3A_38 : memref<1x2x128xi32, #tpu.memory_space<vmem>> -> memref<2x128xi32, #tpu.memory_space<vmem>>
      %dma_start3A_40 = arith.constant 0 : i32
      %dma_start3A_41 = tpu.memref_slice %arg3[%dma_start3A_40, %mul3A_7] : memref<2x320000xi32, #tpu.memory_space<hbm>> -> memref<2x128xi32, #tpu.memory_space<hbm>>
      %dma_start3A_42 = arith.constant 0 : i32
      %dma_start3A_43 = arith.constant 0 : i32
      %dma_start3A_44 = tpu.memref_slice %arg6[%run_scoped3A, %dma_start3A_42, %dma_start3A_43] : memref<2x2x128xi32, #tpu.memory_space<vmem>> -> memref<1x2x128xi32, #tpu.memory_space<vmem>>
      %dma_start3A_45 = tpu.memref_squeeze %dma_start3A_44 : memref<1x2x128xi32, #tpu.memory_space<vmem>> -> memref<2x128xi32, #tpu.memory_space<vmem>>
      %dma_start3A_46 = arith.constant 0 : i32
      %dma_start3A_47 = tpu.memref_slice %arg3[%dma_start3A_46, %mul3A_7] : memref<2x320000xi32, #tpu.memory_space<hbm>> -> memref<2x128xi32, #tpu.memory_space<hbm>>
      tpu.enqueue_dma source(%dma_start3A_47 : memref<2x128xi32, #tpu.memory_space<hbm>>) target(%dma_start3A_45 : memref<2x128xi32, #tpu.memory_space<vmem>>) target_semaphore(%run_scoped3A_35 : memref<!tpu.dma_semaphore, #tpu.memory_space<semaphore_mem>>)
      %dma_wait3A_48 = arith.constant 0 : i32
      %dma_wait3A_49 = arith.constant 0 : i32
      %dma_wait3A_50 = tpu.memref_slice %arg6[%run_scoped3A, %dma_wait3A_48, %dma_wait3A_49] : memref<2x2x128xi32, #tpu.memory_space<vmem>> -> memref<1x2x128xi32, #tpu.memory_space<vmem>>
      %dma_wait3A_51 = tpu.memref_squeeze %dma_wait3A_50 : memref<1x2x128xi32, #tpu.memory_space<vmem>> -> memref<2x128xi32, #tpu.memory_space<vmem>>
      %dma_wait3A_52 = arith.constant 0 : i32
      %dma_wait3A_53 = tpu.memref_slice %arg3[%dma_wait3A_52, %mul3A_7] : memref<2x320000xi32, #tpu.memory_space<hbm>> -> memref<2x128xi32, #tpu.memory_space<hbm>>
      %dma_wait3A_54 = arith.constant 0 : i32
      %dma_wait3A_55 = arith.constant 0 : i32
      %dma_wait3A_56 = tpu.memref_slice %arg6[%run_scoped3A, %dma_wait3A_54, %dma_wait3A_55] : memref<2x2x128xi32, #tpu.memory_space<vmem>> -> memref<1x2x128xi32, #tpu.memory_space<vmem>>
      %dma_wait3A_57 = tpu.memref_squeeze %dma_wait3A_56 : memref<1x2x128xi32, #tpu.memory_space<vmem>> -> memref<2x128xi32, #tpu.memory_space<vmem>>
      %dma_wait3A_58 = arith.constant 0 : i32
      %dma_wait3A_59 = tpu.memref_slice %arg3[%dma_wait3A_58, %mul3A_7] : memref<2x320000xi32, #tpu.memory_space<hbm>> -> memref<2x128xi32, #tpu.memory_space<hbm>>
      tpu.wait_dma2 semaphore(%run_scoped3A_35 : memref<!tpu.dma_semaphore, #tpu.memory_space<semaphore_mem>>) src(%dma_wait3A_59 : memref<2x128xi32, #tpu.memory_space<hbm>>) dst(%dma_wait3A_57 : memref<2x128xi32, #tpu.memory_space<vmem>>)
      tpu.yield
    }) : () -> ()
    %dma_start3A_8 = arith.constant 0 : i32
    %dma_start3A_9 = arith.constant 0 : i32
    %dma_start3A_10 = arith.constant 0 : i32
    %dma_start3A_11 = arith.constant 0 : i32
    %dma_start3A_12 = arith.constant 0 : i32
    %dma_start3A_13 = tpu.memref_slice %arg7[%dma_start3A_10, %dma_start3A_11, %dma_start3A_12] : memref<2x128x128xf32, #tpu.memory_space<vmem>> -> memref<1x128x128xf32, #tpu.memory_space<vmem>>
    %dma_start3A_14 = tpu.memref_squeeze %dma_start3A_13 : memref<1x128x128xf32, #tpu.memory_space<vmem>> -> memref<128x128xf32, #tpu.memory_space<vmem>>
    %dma_start3A_15 = arith.constant 0 : i32
    %dma_start3A_16 = tpu.memref_slice %arg6[%dma_start3A_8, %dma_start3A_9, %dma_start3A_15] : memref<2x2x128xi32, #tpu.memory_space<vmem>> -> memref<1x1x128xi32, #tpu.memory_space<vmem>>
    %dma_start3A_17 = tpu.memref_squeeze %dma_start3A_16 : memref<1x1x128xi32, #tpu.memory_space<vmem>> -> memref<128xi32, #tpu.memory_space<vmem>>
    %dma_start3A_18 = arith.constant 0 : i32
    %dma_start3A_19 = arith.constant 0 : i32
    %dma_start3A_20 = tpu.memref_slice %arg2[%dma_start3A_18, %dma_start3A_19] : memref<10000x128xf32, #tpu.memory_space<hbm>> -> memref<10000x128xf32, #tpu.memory_space<hbm>>
    tpu.enqueue_indirect_dma source(%dma_start3A_20 : memref<10000x128xf32, #tpu.memory_space<hbm>>) target(%dma_start3A_14 : memref<128x128xf32, #tpu.memory_space<vmem>>) offsets(%dma_start3A_17 : memref<128xi32, #tpu.memory_space<vmem>>) semaphore(%arg9 : memref<!tpu.dma_semaphore, #tpu.memory_space<semaphore_mem>>)
    %add3A_21 = arith.constant 32 : i32
    %add3A_22 = arith.addi %add3A_21, %add3A : i32
    %mul3A_23 = arith.constant 128 : i32
    %mul3A_24 = arith.muli %add3A_22, %mul3A_23 : i32
    %run_scoped3A_25 = arith.constant 1 : i32
    "tpu.region"() ({
      %run_scoped3A_35 = tpu.sem_alloc : memref<!tpu.dma_semaphore, #tpu.memory_space<semaphore_mem>>
      %dma_start3A_36 = arith.constant 0 : i32
      %dma_start3A_37 = arith.constant 0 : i32
      %dma_start3A_38 = tpu.memref_slice %arg6[%run_scoped3A_25, %dma_start3A_36, %dma_start3A_37] : memref<2x2x128xi32, #tpu.memory_space<vmem>> -> memref<1x2x128xi32, #tpu.memory_space<vmem>>
      %dma_start3A_39 = tpu.memref_squeeze %dma_start3A_38 : memref<1x2x128xi32, #tpu.memory_space<vmem>> -> memref<2x128xi32, #tpu.memory_space<vmem>>
      %dma_start3A_40 = arith.constant 0 : i32
      %dma_start3A_41 = tpu.memref_slice %arg3[%dma_start3A_40, %mul3A_24] : memref<2x320000xi32, #tpu.memory_space<hbm>> -> memref<2x128xi32, #tpu.memory_space<hbm>>
      %dma_start3A_42 = arith.constant 0 : i32
      %dma_start3A_43 = arith.constant 0 : i32
      %dma_start3A_44 = tpu.memref_slice %arg6[%run_scoped3A_25, %dma_start3A_42, %dma_start3A_43] : memref<2x2x128xi32, #tpu.memory_space<vmem>> -> memref<1x2x128xi32, #tpu.memory_space<vmem>>
      %dma_start3A_45 = tpu.memref_squeeze %dma_start3A_44 : memref<1x2x128xi32, #tpu.memory_space<vmem>> -> memref<2x128xi32, #tpu.memory_space<vmem>>
      %dma_start3A_46 = arith.constant 0 : i32
      %dma_start3A_47 = tpu.memref_slice %arg3[%dma_start3A_46, %mul3A_24] : memref<2x320000xi32, #tpu.memory_space<hbm>> -> memref<2x128xi32, #tpu.memory_space<hbm>>
      tpu.enqueue_dma source(%dma_start3A_47 : memref<2x128xi32, #tpu.memory_space<hbm>>) target(%dma_start3A_45 : memref<2x128xi32, #tpu.memory_space<vmem>>) target_semaphore(%run_scoped3A_35 : memref<!tpu.dma_semaphore, #tpu.memory_space<semaphore_mem>>)
      %dma_wait3A_48 = arith.constant 0 : i32
      %dma_wait3A_49 = arith.constant 0 : i32
      %dma_wait3A_50 = tpu.memref_slice %arg6[%run_scoped3A_25, %dma_wait3A_48, %dma_wait3A_49] : memref<2x2x128xi32, #tpu.memory_space<vmem>> -> memref<1x2x128xi32, #tpu.memory_space<vmem>>
      %dma_wait3A_51 = tpu.memref_squeeze %dma_wait3A_50 : memref<1x2x128xi32, #tpu.memory_space<vmem>> -> memref<2x128xi32, #tpu.memory_space<vmem>>
      %dma_wait3A_52 = arith.constant 0 : i32
      %dma_wait3A_53 = tpu.memref_slice %arg3[%dma_wait3A_52, %mul3A_24] : memref<2x320000xi32, #tpu.memory_space<hbm>> -> memref<2x128xi32, #tpu.memory_space<hbm>>
      %dma_wait3A_54 = arith.constant 0 : i32
      %dma_wait3A_55 = arith.constant 0 : i32
      %dma_wait3A_56 = tpu.memref_slice %arg6[%run_scoped3A_25, %dma_wait3A_54, %dma_wait3A_55] : memref<2x2x128xi32, #tpu.memory_space<vmem>> -> memref<1x2x128xi32, #tpu.memory_space<vmem>>
      %dma_wait3A_57 = tpu.memref_squeeze %dma_wait3A_56 : memref<1x2x128xi32, #tpu.memory_space<vmem>> -> memref<2x128xi32, #tpu.memory_space<vmem>>
      %dma_wait3A_58 = arith.constant 0 : i32
      %dma_wait3A_59 = tpu.memref_slice %arg3[%dma_wait3A_58, %mul3A_24] : memref<2x320000xi32, #tpu.memory_space<hbm>> -> memref<2x128xi32, #tpu.memory_space<hbm>>
      tpu.wait_dma2 semaphore(%run_scoped3A_35 : memref<!tpu.dma_semaphore, #tpu.memory_space<semaphore_mem>>) src(%dma_wait3A_59 : memref<2x128xi32, #tpu.memory_space<hbm>>) dst(%dma_wait3A_57 : memref<2x128xi32, #tpu.memory_space<vmem>>)
      tpu.yield
    }) : () -> ()
    %dma_wait3A = arith.constant 0 : i32
    %dma_wait3A_26 = tpu.memref_slice %arg8[%mul3A_2, %dma_wait3A] : memref<10112x128xf32, #tpu.memory_space<vmem_shared>> -> memref<632x128xf32, #tpu.memory_space<vmem_shared>>
    tpu.wait_dma2 semaphore(%arg10 : memref<!tpu.dma_semaphore, #tpu.memory_space<semaphore_mem>>) src(%arg4 : memref<632x128xf32, #tpu.memory_space<hbm>>) dst(%dma_wait3A_26 : memref<632x128xf32, #tpu.memory_space<vmem_shared>>)
    %barrier3A = arith.constant 0 : index
    tpu.barrier barrier_id(%barrier3A)
    %scan3A = arith.constant 0 : i32
    %scan3A_27 = arith.constant 0 : i32
    %scan3A_28 = arith.constant 39 : i32
    %scan3A_29 = arith.addi %scan3A_27, %scan3A_28 : i32
    %scan3A_30 = arith.constant 1 : i32
    scf.for %scan3A_35 = %scan3A_27 to %scan3A_29 step %scan3A_30  : i32 {
      %dma_start3A_36 = arith.constant 1 : i32
      %dma_start3A_37 = arith.constant 0 : i32
      %dma_start3A_38 = arith.constant 1 : i32
      %dma_start3A_39 = arith.constant 0 : i32
      %dma_start3A_40 = arith.constant 0 : i32
      %dma_start3A_41 = tpu.memref_slice %arg7[%dma_start3A_38, %dma_start3A_39, %dma_start3A_40] : memref<2x128x128xf32, #tpu.memory_space<vmem>> -> memref<1x128x128xf32, #tpu.memory_space<vmem>>
      %dma_start3A_42 = tpu.memref_squeeze %dma_start3A_41 : memref<1x128x128xf32, #tpu.memory_space<vmem>> -> memref<128x128xf32, #tpu.memory_space<vmem>>
      %dma_start3A_43 = arith.constant 0 : i32
      %dma_start3A_44 = tpu.memref_slice %arg6[%dma_start3A_36, %dma_start3A_37, %dma_start3A_43] : memref<2x2x128xi32, #tpu.memory_space<vmem>> -> memref<1x1x128xi32, #tpu.memory_space<vmem>>
      %dma_start3A_45 = tpu.memref_squeeze %dma_start3A_44 : memref<1x1x128xi32, #tpu.memory_space<vmem>> -> memref<128xi32, #tpu.memory_space<vmem>>
      %dma_start3A_46 = arith.constant 0 : i32
      %dma_start3A_47 = arith.constant 0 : i32
      %dma_start3A_48 = tpu.memref_slice %arg2[%dma_start3A_46, %dma_start3A_47] : memref<10000x128xf32, #tpu.memory_space<hbm>> -> memref<10000x128xf32, #tpu.memory_space<hbm>>
      tpu.enqueue_indirect_dma source(%dma_start3A_48 : memref<10000x128xf32, #tpu.memory_space<hbm>>) target(%dma_start3A_42 : memref<128x128xf32, #tpu.memory_space<vmem>>) offsets(%dma_start3A_45 : memref<128xi32, #tpu.memory_space<vmem>>) semaphore(%arg10 : memref<!tpu.dma_semaphore, #tpu.memory_space<semaphore_mem>>)
      %dma_wait3A_49 = arith.constant 0 : i32
      %dma_wait3A_50 = arith.constant 0 : i32
      %dma_wait3A_51 = arith.constant 0 : i32
      %dma_wait3A_52 = tpu.memref_slice %arg7[%dma_wait3A_49, %dma_wait3A_50, %dma_wait3A_51] : memref<2x128x128xf32, #tpu.memory_space<vmem>> -> memref<1x128x128xf32, #tpu.memory_space<vmem>>
      %dma_wait3A_53 = tpu.memref_squeeze %dma_wait3A_52 : memref<1x128x128xf32, #tpu.memory_space<vmem>> -> memref<128x128xf32, #tpu.memory_space<vmem>>
      %dma_wait3A_54 = arith.constant 0 : i32
      %dma_wait3A_55 = arith.constant 0 : i32
      %dma_wait3A_56 = tpu.memref_slice %arg2[%dma_wait3A_54, %dma_wait3A_55] : memref<10000x128xf32, #tpu.memory_space<hbm>> -> memref<128x128xf32, #tpu.memory_space<hbm>>
      %dma_wait3A_57 = arith.constant 0 : i32
      %dma_wait3A_58 = arith.constant 0 : i32
      %dma_wait3A_59 = tpu.memref_slice %arg7[%dma_wait3A_49, %dma_wait3A_57, %dma_wait3A_58] : memref<2x128x128xf32, #tpu.memory_space<vmem>> -> memref<1x128x128xf32, #tpu.memory_space<vmem>>
      %dma_wait3A_60 = tpu.memref_squeeze %dma_wait3A_59 : memref<1x128x128xf32, #tpu.memory_space<vmem>> -> memref<128x128xf32, #tpu.memory_space<vmem>>
      %dma_wait3A_61 = arith.constant 0 : i32
      %dma_wait3A_62 = arith.constant 0 : i32
      %dma_wait3A_63 = tpu.memref_slice %arg2[%dma_wait3A_61, %dma_wait3A_62] : memref<10000x128xf32, #tpu.memory_space<hbm>> -> memref<128x128xf32, #tpu.memory_space<hbm>>
      tpu.wait_dma2 semaphore(%arg9 : memref<!tpu.dma_semaphore, #tpu.memory_space<semaphore_mem>>) src(%dma_wait3A_63 : memref<128x128xf32, #tpu.memory_space<hbm>>) dst(%dma_wait3A_60 : memref<128x128xf32, #tpu.memory_space<vmem>>)
      %run_scoped3A_64 = arith.constant 0 : i32
      %run_scoped3A_65 = arith.constant 0 : i32
      %run_scoped3A_66 = arith.constant 1 : i32
      "tpu.region"() ({
        %run_scoped3A_95 = tpu.sem_alloc : memref<!tpu.dma_semaphore, #tpu.memory_space<semaphore_mem>>
        %dma_start3A_96 = arith.constant 0 : i32
        %dma_start3A_97 = arith.constant 0 : i32
        %dma_start3A_98 = tpu.memref_slice %arg7[%run_scoped3A_64, %dma_start3A_96, %dma_start3A_97] : memref<2x128x128xf32, #tpu.memory_space<vmem>> -> memref<1x128x128xf32, #tpu.memory_space<vmem>>
        %dma_start3A_99 = tpu.memref_squeeze %dma_start3A_98 : memref<1x128x128xf32, #tpu.memory_space<vmem>> -> memref<128x128xf32, #tpu.memory_space<vmem>>
        %dma_start3A_100 = arith.constant 0 : i32
        %dma_start3A_101 = tpu.memref_slice %arg6[%run_scoped3A_65, %run_scoped3A_66, %dma_start3A_100] : memref<2x2x128xi32, #tpu.memory_space<vmem>> -> memref<1x1x128xi32, #tpu.memory_space<vmem>>
        %dma_start3A_102 = tpu.memref_squeeze %dma_start3A_101 : memref<1x1x128xi32, #tpu.memory_space<vmem>> -> memref<128xi32, #tpu.memory_space<vmem>>
        %dma_start3A_103 = arith.constant 0 : i32
        %dma_start3A_104 = arith.constant 0 : i32
        %dma_start3A_105 = tpu.memref_slice %arg8[%dma_start3A_103, %dma_start3A_104] : memref<10112x128xf32, #tpu.memory_space<vmem_shared>> -> memref<10112x128xf32, #tpu.memory_space<vmem_shared>>
        tpu.enqueue_indirect_dma source(%dma_start3A_99 : memref<128x128xf32, #tpu.memory_space<vmem>>) target(%dma_start3A_105 : memref<10112x128xf32, #tpu.memory_space<vmem_shared>>) offsets(%dma_start3A_102 : memref<128xi32, #tpu.memory_space<vmem>>) semaphore(%run_scoped3A_95 : memref<!tpu.dma_semaphore, #tpu.memory_space<semaphore_mem>>) {add = true}
        %dma_wait3A_106 = arith.constant 0 : i32
        %dma_wait3A_107 = arith.constant 0 : i32
        %dma_wait3A_108 = tpu.memref_slice %arg7[%run_scoped3A_64, %dma_wait3A_106, %dma_wait3A_107] : memref<2x128x128xf32, #tpu.memory_space<vmem>> -> memref<1x128x128xf32, #tpu.memory_space<vmem>>
        %dma_wait3A_109 = tpu.memref_squeeze %dma_wait3A_108 : memref<1x128x128xf32, #tpu.memory_space<vmem>> -> memref<128x128xf32, #tpu.memory_space<vmem>>
        %dma_wait3A_110 = arith.constant 0 : i32
        %dma_wait3A_111 = tpu.memref_slice %arg6[%run_scoped3A_65, %run_scoped3A_66, %dma_wait3A_110] : memref<2x2x128xi32, #tpu.memory_space<vmem>> -> memref<1x1x128xi32, #tpu.memory_space<vmem>>
        %dma_wait3A_112 = tpu.memref_squeeze %dma_wait3A_111 : memref<1x1x128xi32, #tpu.memory_space<vmem>> -> memref<128xi32, #tpu.memory_space<vmem>>
        %dma_wait3A_113 = arith.constant 0 : i32
        %dma_wait3A_114 = arith.constant 0 : i32
        %dma_wait3A_115 = tpu.memref_slice %arg8[%dma_wait3A_113, %dma_wait3A_114] : memref<10112x128xf32, #tpu.memory_space<vmem_shared>> -> memref<10112x128xf32, #tpu.memory_space<vmem_shared>>
        tpu.wait_indirect_dma semaphore(%run_scoped3A_95 : memref<!tpu.dma_semaphore, #tpu.memory_space<semaphore_mem>>) src(%dma_wait3A_109 : memref<128x128xf32, #tpu.memory_space<vmem>>) dst(%dma_wait3A_115 : memref<10112x128xf32, #tpu.memory_space<vmem_shared>>)
        tpu.yield
      }) : () -> ()
      %lt3A_67 = arith.constant 38 : i32
      %lt3A_68 = arith.cmpi slt, %scan3A_35, %lt3A_67 : i32
      %convert_element_type3A_69 = arith.extui %lt3A_68 : i1 to i32
      %cond3A_70 = arith.constant 0 : i32
      %cond3A_71 = arith.cmpi ne, %convert_element_type3A_69, %cond3A_70 : i32
      scf.if %cond3A_71 {
        %mul3A_95 = arith.constant 2 : i32
        %mul3A_96 = arith.muli %mul3A_95, %scan3A_35 : i32
        %add3A_97 = arith.constant 2 : i32
        %add3A_98 = arith.addi %mul3A_96, %add3A_97 : i32
        %mul3A_99 = arith.constant 32 : i32
        %mul3A_100 = arith.muli %add3A_98, %mul3A_99 : i32
        %add3A_101 = arith.addi %mul3A_100, %add3A : i32
        %mul3A_102 = arith.constant 128 : i32
        %mul3A_103 = arith.muli %add3A_101, %mul3A_102 : i32
        %run_scoped3A_104 = arith.constant 0 : i32
        "tpu.region"() ({
          %run_scoped3A_118 = tpu.sem_alloc : memref<!tpu.dma_semaphore, #tpu.memory_space<semaphore_mem>>
          %dma_start3A_119 = arith.constant 0 : i32
          %dma_start3A_120 = arith.constant 0 : i32
          %dma_start3A_121 = tpu.memref_slice %arg6[%run_scoped3A_104, %dma_start3A_119, %dma_start3A_120] : memref<2x2x128xi32, #tpu.memory_space<vmem>> -> memref<1x2x128xi32, #tpu.memory_space<vmem>>
          %dma_start3A_122 = tpu.memref_squeeze %dma_start3A_121 : memref<1x2x128xi32, #tpu.memory_space<vmem>> -> memref<2x128xi32, #tpu.memory_space<vmem>>
          %dma_start3A_123 = arith.constant 0 : i32
          %dma_start3A_124 = tpu.memref_slice %arg3[%dma_start3A_123, %mul3A_103] : memref<2x320000xi32, #tpu.memory_space<hbm>> -> memref<2x128xi32, #tpu.memory_space<hbm>>
          %dma_start3A_125 = arith.constant 0 : i32
          %dma_start3A_126 = arith.constant 0 : i32
          %dma_start3A_127 = tpu.memref_slice %arg6[%run_scoped3A_104, %dma_start3A_125, %dma_start3A_126] : memref<2x2x128xi32, #tpu.memory_space<vmem>> -> memref<1x2x128xi32, #tpu.memory_space<vmem>>
          %dma_start3A_128 = tpu.memref_squeeze %dma_start3A_127 : memref<1x2x128xi32, #tpu.memory_space<vmem>> -> memref<2x128xi32, #tpu.memory_space<vmem>>
          %dma_start3A_129 = arith.constant 0 : i32
          %dma_start3A_130 = tpu.memref_slice %arg3[%dma_start3A_129, %mul3A_103] : memref<2x320000xi32, #tpu.memory_space<hbm>> -> memref<2x128xi32, #tpu.memory_space<hbm>>
          tpu.enqueue_dma source(%dma_start3A_130 : memref<2x128xi32, #tpu.memory_space<hbm>>) target(%dma_start3A_128 : memref<2x128xi32, #tpu.memory_space<vmem>>) target_semaphore(%run_scoped3A_118 : memref<!tpu.dma_semaphore, #tpu.memory_space<semaphore_mem>>)
          %dma_wait3A_131 = arith.constant 0 : i32
          %dma_wait3A_132 = arith.constant 0 : i32
          %dma_wait3A_133 = tpu.memref_slice %arg6[%run_scoped3A_104, %dma_wait3A_131, %dma_wait3A_132] : memref<2x2x128xi32, #tpu.memory_space<vmem>> -> memref<1x2x128xi32, #tpu.memory_space<vmem>>
          %dma_wait3A_134 = tpu.memref_squeeze %dma_wait3A_133 : memref<1x2x128xi32, #tpu.memory_space<vmem>> -> memref<2x128xi32, #tpu.memory_space<vmem>>
          %dma_wait3A_135 = arith.constant 0 : i32
          %dma_wait3A_136 = tpu.memref_slice %arg3[%dma_wait3A_135, %mul3A_103] : memref<2x320000xi32, #tpu.memory_space<hbm>> -> memref<2x128xi32, #tpu.memory_space<hbm>>
          %dma_wait3A_137 = arith.constant 0 : i32
          %dma_wait3A_138 = arith.constant 0 : i32
          %dma_wait3A_139 = tpu.memref_slice %arg6[%run_scoped3A_104, %dma_wait3A_137, %dma_wait3A_138] : memref<2x2x128xi32, #tpu.memory_space<vmem>> -> memref<1x2x128xi32, #tpu.memory_space<vmem>>
          %dma_wait3A_140 = tpu.memref_squeeze %dma_wait3A_139 : memref<1x2x128xi32, #tpu.memory_space<vmem>> -> memref<2x128xi32, #tpu.memory_space<vmem>>
          %dma_wait3A_141 = arith.constant 0 : i32
          %dma_wait3A_142 = tpu.memref_slice %arg3[%dma_wait3A_141, %mul3A_103] : memref<2x320000xi32, #tpu.memory_space<hbm>> -> memref<2x128xi32, #tpu.memory_space<hbm>>
          tpu.wait_dma2 semaphore(%run_scoped3A_118 : memref<!tpu.dma_semaphore, #tpu.memory_space<semaphore_mem>>) src(%dma_wait3A_142 : memref<2x128xi32, #tpu.memory_space<hbm>>) dst(%dma_wait3A_140 : memref<2x128xi32, #tpu.memory_space<vmem>>)
          tpu.yield
        }) : () -> ()
        %dma_start3A_105 = arith.constant 0 : i32
        %dma_start3A_106 = arith.constant 0 : i32
        %dma_start3A_107 = arith.constant 0 : i32
        %dma_start3A_108 = arith.constant 0 : i32
        %dma_start3A_109 = arith.constant 0 : i32
        %dma_start3A_110 = tpu.memref_slice %arg7[%dma_start3A_107, %dma_start3A_108, %dma_start3A_109] : memref<2x128x128xf32, #tpu.memory_space<vmem>> -> memref<1x128x128xf32, #tpu.memory_space<vmem>>
        %dma_start3A_111 = tpu.memref_squeeze %dma_start3A_110 : memref<1x128x128xf32, #tpu.memory_space<vmem>> -> memref<128x128xf32, #tpu.memory_space<vmem>>
        %dma_start3A_112 = arith.constant 0 : i32
        %dma_start3A_113 = tpu.memref_slice %arg6[%dma_start3A_105, %dma_start3A_106, %dma_start3A_112] : memref<2x2x128xi32, #tpu.memory_space<vmem>> -> memref<1x1x128xi32, #tpu.memory_space<vmem>>
        %dma_start3A_114 = tpu.memref_squeeze %dma_start3A_113 : memref<1x1x128xi32, #tpu.memory_space<vmem>> -> memref<128xi32, #tpu.memory_space<vmem>>
        %dma_start3A_115 = arith.constant 0 : i32
        %dma_start3A_116 = arith.constant 0 : i32
        %dma_start3A_117 = tpu.memref_slice %arg2[%dma_start3A_115, %dma_start3A_116] : memref<10000x128xf32, #tpu.memory_space<hbm>> -> memref<10000x128xf32, #tpu.memory_space<hbm>>
        tpu.enqueue_indirect_dma source(%dma_start3A_117 : memref<10000x128xf32, #tpu.memory_space<hbm>>) target(%dma_start3A_111 : memref<128x128xf32, #tpu.memory_space<vmem>>) offsets(%dma_start3A_114 : memref<128xi32, #tpu.memory_space<vmem>>) semaphore(%arg9 : memref<!tpu.dma_semaphore, #tpu.memory_space<semaphore_mem>>)
      } else {
      }
      %dma_wait3A_72 = arith.constant 1 : i32
      %dma_wait3A_73 = arith.constant 0 : i32
      %dma_wait3A_74 = arith.constant 0 : i32
      %dma_wait3A_75 = tpu.memref_slice %arg7[%dma_wait3A_72, %dma_wait3A_73, %dma_wait3A_74] : memref<2x128x128xf32, #tpu.memory_space<vmem>> -> memref<1x128x128xf32, #tpu.memory_space<vmem>>
      %dma_wait3A_76 = tpu.memref_squeeze %dma_wait3A_75 : memref<1x128x128xf32, #tpu.memory_space<vmem>> -> memref<128x128xf32, #tpu.memory_space<vmem>>
      %dma_wait3A_77 = arith.constant 0 : i32
      %dma_wait3A_78 = arith.constant 0 : i32
      %dma_wait3A_79 = tpu.memref_slice %arg2[%dma_wait3A_77, %dma_wait3A_78] : memref<10000x128xf32, #tpu.memory_space<hbm>> -> memref<128x128xf32, #tpu.memory_space<hbm>>
      %dma_wait3A_80 = arith.constant 0 : i32
      %dma_wait3A_81 = arith.constant 0 : i32
      %dma_wait3A_82 = tpu.memref_slice %arg7[%dma_wait3A_72, %dma_wait3A_80, %dma_wait3A_81] : memref<2x128x128xf32, #tpu.memory_space<vmem>> -> memref<1x128x128xf32, #tpu.memory_space<vmem>>
      %dma_wait3A_83 = tpu.memref_squeeze %dma_wait3A_82 : memref<1x128x128xf32, #tpu.memory_space<vmem>> -> memref<128x128xf32, #tpu.memory_space<vmem>>
      %dma_wait3A_84 = arith.constant 0 : i32
      %dma_wait3A_85 = arith.constant 0 : i32
      %dma_wait3A_86 = tpu.memref_slice %arg2[%dma_wait3A_84, %dma_wait3A_85] : memref<10000x128xf32, #tpu.memory_space<hbm>> -> memref<128x128xf32, #tpu.memory_space<hbm>>
      tpu.wait_dma2 semaphore(%arg10 : memref<!tpu.dma_semaphore, #tpu.memory_space<semaphore_mem>>) src(%dma_wait3A_86 : memref<128x128xf32, #tpu.memory_space<hbm>>) dst(%dma_wait3A_83 : memref<128x128xf32, #tpu.memory_space<vmem>>)
      %run_scoped3A_87 = arith.constant 1 : i32
      %run_scoped3A_88 = arith.constant 1 : i32
      %run_scoped3A_89 = arith.constant 1 : i32
      "tpu.region"() ({
        %run_scoped3A_95 = tpu.sem_alloc : memref<!tpu.dma_semaphore, #tpu.memory_space<semaphore_mem>>
        %dma_start3A_96 = arith.constant 0 : i32
        %dma_start3A_97 = arith.constant 0 : i32
        %dma_start3A_98 = tpu.memref_slice %arg7[%run_scoped3A_87, %dma_start3A_96, %dma_start3A_97] : memref<2x128x128xf32, #tpu.memory_space<vmem>> -> memref<1x128x128xf32, #tpu.memory_space<vmem>>
        %dma_start3A_99 = tpu.memref_squeeze %dma_start3A_98 : memref<1x128x128xf32, #tpu.memory_space<vmem>> -> memref<128x128xf32, #tpu.memory_space<vmem>>
        %dma_start3A_100 = arith.constant 0 : i32
        %dma_start3A_101 = tpu.memref_slice %arg6[%run_scoped3A_88, %run_scoped3A_89, %dma_start3A_100] : memref<2x2x128xi32, #tpu.memory_space<vmem>> -> memref<1x1x128xi32, #tpu.memory_space<vmem>>
        %dma_start3A_102 = tpu.memref_squeeze %dma_start3A_101 : memref<1x1x128xi32, #tpu.memory_space<vmem>> -> memref<128xi32, #tpu.memory_space<vmem>>
        %dma_start3A_103 = arith.constant 0 : i32
        %dma_start3A_104 = arith.constant 0 : i32
        %dma_start3A_105 = tpu.memref_slice %arg8[%dma_start3A_103, %dma_start3A_104] : memref<10112x128xf32, #tpu.memory_space<vmem_shared>> -> memref<10112x128xf32, #tpu.memory_space<vmem_shared>>
        tpu.enqueue_indirect_dma source(%dma_start3A_99 : memref<128x128xf32, #tpu.memory_space<vmem>>) target(%dma_start3A_105 : memref<10112x128xf32, #tpu.memory_space<vmem_shared>>) offsets(%dma_start3A_102 : memref<128xi32, #tpu.memory_space<vmem>>) semaphore(%run_scoped3A_95 : memref<!tpu.dma_semaphore, #tpu.memory_space<semaphore_mem>>) {add = true}
        %dma_wait3A_106 = arith.constant 0 : i32
        %dma_wait3A_107 = arith.constant 0 : i32
        %dma_wait3A_108 = tpu.memref_slice %arg7[%run_scoped3A_87, %dma_wait3A_106, %dma_wait3A_107] : memref<2x128x128xf32, #tpu.memory_space<vmem>> -> memref<1x128x128xf32, #tpu.memory_space<vmem>>
        %dma_wait3A_109 = tpu.memref_squeeze %dma_wait3A_108 : memref<1x128x128xf32, #tpu.memory_space<vmem>> -> memref<128x128xf32, #tpu.memory_space<vmem>>
        %dma_wait3A_110 = arith.constant 0 : i32
        %dma_wait3A_111 = tpu.memref_slice %arg6[%run_scoped3A_88, %run_scoped3A_89, %dma_wait3A_110] : memref<2x2x128xi32, #tpu.memory_space<vmem>> -> memref<1x1x128xi32, #tpu.memory_space<vmem>>
        %dma_wait3A_112 = tpu.memref_squeeze %dma_wait3A_111 : memref<1x1x128xi32, #tpu.memory_space<vmem>> -> memref<128xi32, #tpu.memory_space<vmem>>
        %dma_wait3A_113 = arith.constant 0 : i32
        %dma_wait3A_114 = arith.constant 0 : i32
        %dma_wait3A_115 = tpu.memref_slice %arg8[%dma_wait3A_113, %dma_wait3A_114] : memref<10112x128xf32, #tpu.memory_space<vmem_shared>> -> memref<10112x128xf32, #tpu.memory_space<vmem_shared>>
        tpu.wait_indirect_dma semaphore(%run_scoped3A_95 : memref<!tpu.dma_semaphore, #tpu.memory_space<semaphore_mem>>) src(%dma_wait3A_109 : memref<128x128xf32, #tpu.memory_space<vmem>>) dst(%dma_wait3A_115 : memref<10112x128xf32, #tpu.memory_space<vmem_shared>>)
        tpu.yield
      }) : () -> ()
      %lt3A_90 = arith.constant 38 : i32
      %lt3A_91 = arith.cmpi slt, %scan3A_35, %lt3A_90 : i32
      %convert_element_type3A_92 = arith.extui %lt3A_91 : i1 to i32
      %cond3A_93 = arith.constant 0 : i32
      %cond3A_94 = arith.cmpi ne, %convert_element_type3A_92, %cond3A_93 : i32
      scf.if %cond3A_94 {
        %mul3A_95 = arith.constant 2 : i32
        %mul3A_96 = arith.muli %mul3A_95, %scan3A_35 : i32
        %add3A_97 = arith.constant 3 : i32
        %add3A_98 = arith.addi %mul3A_96, %add3A_97 : i32
        %mul3A_99 = arith.constant 32 : i32
        %mul3A_100 = arith.muli %add3A_98, %mul3A_99 : i32
        %add3A_101 = arith.addi %mul3A_100, %add3A : i32
        %mul3A_102 = arith.constant 128 : i32
        %mul3A_103 = arith.muli %add3A_101, %mul3A_102 : i32
        %run_scoped3A_104 = arith.constant 1 : i32
        "tpu.region"() ({
          %run_scoped3A_105 = tpu.sem_alloc : memref<!tpu.dma_semaphore, #tpu.memory_space<semaphore_mem>>
          %dma_start3A_106 = arith.constant 0 : i32
          %dma_start3A_107 = arith.constant 0 : i32
          %dma_start3A_108 = tpu.memref_slice %arg6[%run_scoped3A_104, %dma_start3A_106, %dma_start3A_107] : memref<2x2x128xi32, #tpu.memory_space<vmem>> -> memref<1x2x128xi32, #tpu.memory_space<vmem>>
          %dma_start3A_109 = tpu.memref_squeeze %dma_start3A_108 : memref<1x2x128xi32, #tpu.memory_space<vmem>> -> memref<2x128xi32, #tpu.memory_space<vmem>>
          %dma_start3A_110 = arith.constant 0 : i32
          %dma_start3A_111 = tpu.memref_slice %arg3[%dma_start3A_110, %mul3A_103] : memref<2x320000xi32, #tpu.memory_space<hbm>> -> memref<2x128xi32, #tpu.memory_space<hbm>>
          %dma_start3A_112 = arith.constant 0 : i32
          %dma_start3A_113 = arith.constant 0 : i32
          %dma_start3A_114 = tpu.memref_slice %arg6[%run_scoped3A_104, %dma_start3A_112, %dma_start3A_113] : memref<2x2x128xi32, #tpu.memory_space<vmem>> -> memref<1x2x128xi32, #tpu.memory_space<vmem>>
          %dma_start3A_115 = tpu.memref_squeeze %dma_start3A_114 : memref<1x2x128xi32, #tpu.memory_space<vmem>> -> memref<2x128xi32, #tpu.memory_space<vmem>>
          %dma_start3A_116 = arith.constant 0 : i32
          %dma_start3A_117 = tpu.memref_slice %arg3[%dma_start3A_116, %mul3A_103] : memref<2x320000xi32, #tpu.memory_space<hbm>> -> memref<2x128xi32, #tpu.memory_space<hbm>>
          tpu.enqueue_dma source(%dma_start3A_117 : memref<2x128xi32, #tpu.memory_space<hbm>>) target(%dma_start3A_115 : memref<2x128xi32, #tpu.memory_space<vmem>>) target_semaphore(%run_scoped3A_105 : memref<!tpu.dma_semaphore, #tpu.memory_space<semaphore_mem>>)
          %dma_wait3A_118 = arith.constant 0 : i32
          %dma_wait3A_119 = arith.constant 0 : i32
          %dma_wait3A_120 = tpu.memref_slice %arg6[%run_scoped3A_104, %dma_wait3A_118, %dma_wait3A_119] : memref<2x2x128xi32, #tpu.memory_space<vmem>> -> memref<1x2x128xi32, #tpu.memory_space<vmem>>
          %dma_wait3A_121 = tpu.memref_squeeze %dma_wait3A_120 : memref<1x2x128xi32, #tpu.memory_space<vmem>> -> memref<2x128xi32, #tpu.memory_space<vmem>>
          %dma_wait3A_122 = arith.constant 0 : i32
          %dma_wait3A_123 = tpu.memref_slice %arg3[%dma_wait3A_122, %mul3A_103] : memref<2x320000xi32, #tpu.memory_space<hbm>> -> memref<2x128xi32, #tpu.memory_space<hbm>>
          %dma_wait3A_124 = arith.constant 0 : i32
          %dma_wait3A_125 = arith.constant 0 : i32
          %dma_wait3A_126 = tpu.memref_slice %arg6[%run_scoped3A_104, %dma_wait3A_124, %dma_wait3A_125] : memref<2x2x128xi32, #tpu.memory_space<vmem>> -> memref<1x2x128xi32, #tpu.memory_space<vmem>>
          %dma_wait3A_127 = tpu.memref_squeeze %dma_wait3A_126 : memref<1x2x128xi32, #tpu.memory_space<vmem>> -> memref<2x128xi32, #tpu.memory_space<vmem>>
          %dma_wait3A_128 = arith.constant 0 : i32
          %dma_wait3A_129 = tpu.memref_slice %arg3[%dma_wait3A_128, %mul3A_103] : memref<2x320000xi32, #tpu.memory_space<hbm>> -> memref<2x128xi32, #tpu.memory_space<hbm>>
          tpu.wait_dma2 semaphore(%run_scoped3A_105 : memref<!tpu.dma_semaphore, #tpu.memory_space<semaphore_mem>>) src(%dma_wait3A_129 : memref<2x128xi32, #tpu.memory_space<hbm>>) dst(%dma_wait3A_127 : memref<2x128xi32, #tpu.memory_space<vmem>>)
          tpu.yield
        }) : () -> ()
      } else {
      }
    }
    %scan3A_31 = arith.constant 39 : i32
    %lt3A = arith.constant 4 : i32
    %lt3A_32 = arith.cmpi slt, %add3A, %lt3A : i32
    %convert_element_type3A = arith.extui %lt3A_32 : i1 to i32
    %cond3A = arith.constant 0 : i32
    %cond3A_33 = arith.cmpi ne, %convert_element_type3A, %cond3A : i32
    scf.if %cond3A_33 {
      %add3A_35 = arith.constant 2496 : i32
      %add3A_36 = arith.addi %add3A_35, %add3A : i32
      %mul3A_37 = arith.constant 128 : i32
      %mul3A_38 = arith.muli %add3A_36, %mul3A_37 : i32
      %run_scoped3A_39 = arith.constant 0 : i32
      "tpu.region"() ({
        %run_scoped3A_69 = tpu.sem_alloc : memref<!tpu.dma_semaphore, #tpu.memory_space<semaphore_mem>>
        %dma_start3A_70 = arith.constant 0 : i32
        %dma_start3A_71 = arith.constant 0 : i32
        %dma_start3A_72 = tpu.memref_slice %arg6[%run_scoped3A_39, %dma_start3A_70, %dma_start3A_71] : memref<2x2x128xi32, #tpu.memory_space<vmem>> -> memref<1x2x128xi32, #tpu.memory_space<vmem>>
        %dma_start3A_73 = tpu.memref_squeeze %dma_start3A_72 : memref<1x2x128xi32, #tpu.memory_space<vmem>> -> memref<2x128xi32, #tpu.memory_space<vmem>>
        %dma_start3A_74 = arith.constant 0 : i32
        %dma_start3A_75 = tpu.memref_slice %arg3[%dma_start3A_74, %mul3A_38] : memref<2x320000xi32, #tpu.memory_space<hbm>> -> memref<2x128xi32, #tpu.memory_space<hbm>>
        %dma_start3A_76 = arith.constant 0 : i32
        %dma_start3A_77 = arith.constant 0 : i32
        %dma_start3A_78 = tpu.memref_slice %arg6[%run_scoped3A_39, %dma_start3A_76, %dma_start3A_77] : memref<2x2x128xi32, #tpu.memory_space<vmem>> -> memref<1x2x128xi32, #tpu.memory_space<vmem>>
        %dma_start3A_79 = tpu.memref_squeeze %dma_start3A_78 : memref<1x2x128xi32, #tpu.memory_space<vmem>> -> memref<2x128xi32, #tpu.memory_space<vmem>>
        %dma_start3A_80 = arith.constant 0 : i32
        %dma_start3A_81 = tpu.memref_slice %arg3[%dma_start3A_80, %mul3A_38] : memref<2x320000xi32, #tpu.memory_space<hbm>> -> memref<2x128xi32, #tpu.memory_space<hbm>>
        tpu.enqueue_dma source(%dma_start3A_81 : memref<2x128xi32, #tpu.memory_space<hbm>>) target(%dma_start3A_79 : memref<2x128xi32, #tpu.memory_space<vmem>>) target_semaphore(%run_scoped3A_69 : memref<!tpu.dma_semaphore, #tpu.memory_space<semaphore_mem>>)
        %dma_wait3A_82 = arith.constant 0 : i32
        %dma_wait3A_83 = arith.constant 0 : i32
        %dma_wait3A_84 = tpu.memref_slice %arg6[%run_scoped3A_39, %dma_wait3A_82, %dma_wait3A_83] : memref<2x2x128xi32, #tpu.memory_space<vmem>> -> memref<1x2x128xi32, #tpu.memory_space<vmem>>
        %dma_wait3A_85 = tpu.memref_squeeze %dma_wait3A_84 : memref<1x2x128xi32, #tpu.memory_space<vmem>> -> memref<2x128xi32, #tpu.memory_space<vmem>>
        %dma_wait3A_86 = arith.constant 0 : i32
        %dma_wait3A_87 = tpu.memref_slice %arg3[%dma_wait3A_86, %mul3A_38] : memref<2x320000xi32, #tpu.memory_space<hbm>> -> memref<2x128xi32, #tpu.memory_space<hbm>>
        %dma_wait3A_88 = arith.constant 0 : i32
        %dma_wait3A_89 = arith.constant 0 : i32
        %dma_wait3A_90 = tpu.memref_slice %arg6[%run_scoped3A_39, %dma_wait3A_88, %dma_wait3A_89] : memref<2x2x128xi32, #tpu.memory_space<vmem>> -> memref<1x2x128xi32, #tpu.memory_space<vmem>>
        %dma_wait3A_91 = tpu.memref_squeeze %dma_wait3A_90 : memref<1x2x128xi32, #tpu.memory_space<vmem>> -> memref<2x128xi32, #tpu.memory_space<vmem>>
        %dma_wait3A_92 = arith.constant 0 : i32
        %dma_wait3A_93 = tpu.memref_slice %arg3[%dma_wait3A_92, %mul3A_38] : memref<2x320000xi32, #tpu.memory_space<hbm>> -> memref<2x128xi32, #tpu.memory_space<hbm>>
        tpu.wait_dma2 semaphore(%run_scoped3A_69 : memref<!tpu.dma_semaphore, #tpu.memory_space<semaphore_mem>>) src(%dma_wait3A_93 : memref<2x128xi32, #tpu.memory_space<hbm>>) dst(%dma_wait3A_91 : memref<2x128xi32, #tpu.memory_space<vmem>>)
        tpu.yield
      }) : () -> ()
      %dma_start3A_40 = arith.constant 0 : i32
      %dma_start3A_41 = arith.constant 0 : i32
      %dma_start3A_42 = arith.constant 0 : i32
      %dma_start3A_43 = arith.constant 0 : i32
      %dma_start3A_44 = arith.constant 0 : i32
      %dma_start3A_45 = tpu.memref_slice %arg7[%dma_start3A_42, %dma_start3A_43, %dma_start3A_44] : memref<2x128x128xf32, #tpu.memory_space<vmem>> -> memref<1x128x128xf32, #tpu.memory_space<vmem>>
      %dma_start3A_46 = tpu.memref_squeeze %dma_start3A_45 : memref<1x128x128xf32, #tpu.memory_space<vmem>> -> memref<128x128xf32, #tpu.memory_space<vmem>>
      %dma_start3A_47 = arith.constant 0 : i32
      %dma_start3A_48 = tpu.memref_slice %arg6[%dma_start3A_40, %dma_start3A_41, %dma_start3A_47] : memref<2x2x128xi32, #tpu.memory_space<vmem>> -> memref<1x1x128xi32, #tpu.memory_space<vmem>>
      %dma_start3A_49 = tpu.memref_squeeze %dma_start3A_48 : memref<1x1x128xi32, #tpu.memory_space<vmem>> -> memref<128xi32, #tpu.memory_space<vmem>>
      %dma_start3A_50 = arith.constant 0 : i32
      %dma_start3A_51 = arith.constant 0 : i32
      %dma_start3A_52 = tpu.memref_slice %arg2[%dma_start3A_50, %dma_start3A_51] : memref<10000x128xf32, #tpu.memory_space<hbm>> -> memref<10000x128xf32, #tpu.memory_space<hbm>>
      tpu.enqueue_indirect_dma source(%dma_start3A_52 : memref<10000x128xf32, #tpu.memory_space<hbm>>) target(%dma_start3A_46 : memref<128x128xf32, #tpu.memory_space<vmem>>) offsets(%dma_start3A_49 : memref<128xi32, #tpu.memory_space<vmem>>) semaphore(%arg9 : memref<!tpu.dma_semaphore, #tpu.memory_space<semaphore_mem>>)
      %dma_wait3A_53 = arith.constant 0 : i32
      %dma_wait3A_54 = arith.constant 0 : i32
      %dma_wait3A_55 = arith.constant 0 : i32
      %dma_wait3A_56 = arith.constant 0 : i32
      %dma_wait3A_57 = arith.constant 0 : i32
      %dma_wait3A_58 = tpu.memref_slice %arg7[%dma_wait3A_55, %dma_wait3A_56, %dma_wait3A_57] : memref<2x128x128xf32, #tpu.memory_space<vmem>> -> memref<1x128x128xf32, #tpu.memory_space<vmem>>
      %dma_wait3A_59 = tpu.memref_squeeze %dma_wait3A_58 : memref<1x128x128xf32, #tpu.memory_space<vmem>> -> memref<128x128xf32, #tpu.memory_space<vmem>>
      %dma_wait3A_60 = arith.constant 0 : i32
      %dma_wait3A_61 = tpu.memref_slice %arg6[%dma_wait3A_53, %dma_wait3A_54, %dma_wait3A_60] : memref<2x2x128xi32, #tpu.memory_space<vmem>> -> memref<1x1x128xi32, #tpu.memory_space<vmem>>
      %dma_wait3A_62 = tpu.memref_squeeze %dma_wait3A_61 : memref<1x1x128xi32, #tpu.memory_space<vmem>> -> memref<128xi32, #tpu.memory_space<vmem>>
      %dma_wait3A_63 = arith.constant 0 : i32
      %dma_wait3A_64 = arith.constant 0 : i32
      %dma_wait3A_65 = tpu.memref_slice %arg2[%dma_wait3A_63, %dma_wait3A_64] : memref<10000x128xf32, #tpu.memory_space<hbm>> -> memref<10000x128xf32, #tpu.memory_space<hbm>>
      tpu.wait_indirect_dma semaphore(%arg9 : memref<!tpu.dma_semaphore, #tpu.memory_space<semaphore_mem>>) src(%dma_wait3A_65 : memref<10000x128xf32, #tpu.memory_space<hbm>>) dst(%dma_wait3A_59 : memref<128x128xf32, #tpu.memory_space<vmem>>)
      %run_scoped3A_66 = arith.constant 0 : i32
      %run_scoped3A_67 = arith.constant 0 : i32
      %run_scoped3A_68 = arith.constant 1 : i32
      "tpu.region"() ({
        %run_scoped3A_69 = tpu.sem_alloc : memref<!tpu.dma_semaphore, #tpu.memory_space<semaphore_mem>>
        %dma_start3A_70 = arith.constant 0 : i32
        %dma_start3A_71 = arith.constant 0 : i32
        %dma_start3A_72 = tpu.memref_slice %arg7[%run_scoped3A_66, %dma_start3A_70, %dma_start3A_71] : memref<2x128x128xf32, #tpu.memory_space<vmem>> -> memref<1x128x128xf32, #tpu.memory_space<vmem>>
        %dma_start3A_73 = tpu.memref_squeeze %dma_start3A_72 : memref<1x128x128xf32, #tpu.memory_space<vmem>> -> memref<128x128xf32, #tpu.memory_space<vmem>>
        %dma_start3A_74 = arith.constant 0 : i32
        %dma_start3A_75 = tpu.memref_slice %arg6[%run_scoped3A_67, %run_scoped3A_68, %dma_start3A_74] : memref<2x2x128xi32, #tpu.memory_space<vmem>> -> memref<1x1x128xi32, #tpu.memory_space<vmem>>
        %dma_start3A_76 = tpu.memref_squeeze %dma_start3A_75 : memref<1x1x128xi32, #tpu.memory_space<vmem>> -> memref<128xi32, #tpu.memory_space<vmem>>
        %dma_start3A_77 = arith.constant 0 : i32
        %dma_start3A_78 = arith.constant 0 : i32
        %dma_start3A_79 = tpu.memref_slice %arg8[%dma_start3A_77, %dma_start3A_78] : memref<10112x128xf32, #tpu.memory_space<vmem_shared>> -> memref<10112x128xf32, #tpu.memory_space<vmem_shared>>
        tpu.enqueue_indirect_dma source(%dma_start3A_73 : memref<128x128xf32, #tpu.memory_space<vmem>>) target(%dma_start3A_79 : memref<10112x128xf32, #tpu.memory_space<vmem_shared>>) offsets(%dma_start3A_76 : memref<128xi32, #tpu.memory_space<vmem>>) semaphore(%run_scoped3A_69 : memref<!tpu.dma_semaphore, #tpu.memory_space<semaphore_mem>>) {add = true}
        %dma_wait3A_80 = arith.constant 0 : i32
        %dma_wait3A_81 = arith.constant 0 : i32
        %dma_wait3A_82 = tpu.memref_slice %arg7[%run_scoped3A_66, %dma_wait3A_80, %dma_wait3A_81] : memref<2x128x128xf32, #tpu.memory_space<vmem>> -> memref<1x128x128xf32, #tpu.memory_space<vmem>>
        %dma_wait3A_83 = tpu.memref_squeeze %dma_wait3A_82 : memref<1x128x128xf32, #tpu.memory_space<vmem>> -> memref<128x128xf32, #tpu.memory_space<vmem>>
        %dma_wait3A_84 = arith.constant 0 : i32
        %dma_wait3A_85 = tpu.memref_slice %arg6[%run_scoped3A_67, %run_scoped3A_68, %dma_wait3A_84] : memref<2x2x128xi32, #tpu.memory_space<vmem>> -> memref<1x1x128xi32, #tpu.memory_space<vmem>>
        %dma_wait3A_86 = tpu.memref_squeeze %dma_wait3A_85 : memref<1x1x128xi32, #tpu.memory_space<vmem>> -> memref<128xi32, #tpu.memory_space<vmem>>
        %dma_wait3A_87 = arith.constant 0 : i32
        %dma_wait3A_88 = arith.constant 0 : i32
        %dma_wait3A_89 = tpu.memref_slice %arg8[%dma_wait3A_87, %dma_wait3A_88] : memref<10112x128xf32, #tpu.memory_space<vmem_shared>> -> memref<10112x128xf32, #tpu.memory_space<vmem_shared>>
        tpu.wait_indirect_dma semaphore(%run_scoped3A_69 : memref<!tpu.dma_semaphore, #tpu.memory_space<semaphore_mem>>) src(%dma_wait3A_83 : memref<128x128xf32, #tpu.memory_space<vmem>>) dst(%dma_wait3A_89 : memref<10112x128xf32, #tpu.memory_space<vmem_shared>>)
        tpu.yield
      }) : () -> ()
    } else {
    }
    %barrier3A_34 = arith.constant 0 : index
    tpu.barrier barrier_id(%barrier3A_34)
    "tpu.region"() ({
      %run_scoped3A_35 = tpu.sem_alloc : memref<!tpu.dma_semaphore, #tpu.memory_space<semaphore_mem>>
      %dma_start3A_36 = arith.constant 0 : i32
      %dma_start3A_37 = tpu.memref_slice %arg5[%arg0, %mul3A_2, %dma_start3A_36] : memref<2x10112x128xf32, #tpu.memory_space<hbm>> -> memref<1x632x128xf32, #tpu.memory_space<hbm>>
      %dma_start3A_38 = tpu.memref_squeeze %dma_start3A_37 : memref<1x632x128xf32, #tpu.memory_space<hbm>> -> memref<632x128xf32, #tpu.memory_space<hbm>>
      %dma_start3A_39 = arith.constant 0 : i32
      %dma_start3A_40 = tpu.memref_slice %arg8[%mul3A_2, %dma_start3A_39] : memref<10112x128xf32, #tpu.memory_space<vmem_shared>> -> memref<632x128xf32, #tpu.memory_space<vmem_shared>>
      tpu.enqueue_dma source(%dma_start3A_40 : memref<632x128xf32, #tpu.memory_space<vmem_shared>>) target(%dma_start3A_38 : memref<632x128xf32, #tpu.memory_space<hbm>>) target_semaphore(%run_scoped3A_35 : memref<!tpu.dma_semaphore, #tpu.memory_space<semaphore_mem>>)
      %dma_wait3A_41 = arith.constant 0 : i32
      %dma_wait3A_42 = tpu.memref_slice %arg5[%arg0, %mul3A_2, %dma_wait3A_41] : memref<2x10112x128xf32, #tpu.memory_space<hbm>> -> memref<1x632x128xf32, #tpu.memory_space<hbm>>
      %dma_wait3A_43 = tpu.memref_squeeze %dma_wait3A_42 : memref<1x632x128xf32, #tpu.memory_space<hbm>> -> memref<632x128xf32, #tpu.memory_space<hbm>>
      %dma_wait3A_44 = arith.constant 0 : i32
      %dma_wait3A_45 = tpu.memref_slice %arg8[%mul3A_2, %dma_wait3A_44] : memref<10112x128xf32, #tpu.memory_space<vmem_shared>> -> memref<632x128xf32, #tpu.memory_space<vmem_shared>>
      tpu.wait_dma2 semaphore(%run_scoped3A_35 : memref<!tpu.dma_semaphore, #tpu.memory_space<semaphore_mem>>) src(%dma_wait3A_45 : memref<632x128xf32, #tpu.memory_space<vmem_shared>>) dst(%dma_wait3A_43 : memref<632x128xf32, #tpu.memory_space<hbm>>)
      tpu.yield
    }) : () -> ()
    return
  }
}

module attributes {stable_mosaic.version = 14 : i64} {
  func.func @_mlp_body(%arg0: i32, %arg1: memref<2x2000x128xf32, #tpu.memory_space<vmem>>, %arg2: memref<128x128xf32, #tpu.memory_space<vmem>>, %arg3: memref<1x128xf32, #tpu.memory_space<vmem>>, %arg4: memref<128x128xf32, #tpu.memory_space<vmem>>, %arg5: memref<1x128xf32, #tpu.memory_space<vmem>>, %arg6: memref<2000x128xf32, #tpu.memory_space<vmem>>) attributes {dimension_semantics = [#tpu.dimension_semantics<arbitrary>], iteration_bounds = array<i64: 5>, scalar_prefetch = 0 : i64, scratch_operands = 0 : i64, tpu.core_type = #tpu.core_type<tc>, window_params = [{transform_indices = @transform_0, window_bounds = array<i64: 2, 2000, 128>}, {pipeline_mode = #tpu.pipeline_mode<synchronous>, transform_indices = @transform_1, window_bounds = array<i64: 128, 128>}, {pipeline_mode = #tpu.pipeline_mode<synchronous>, transform_indices = @transform_2, window_bounds = array<i64: 1, 128>}, {pipeline_mode = #tpu.pipeline_mode<synchronous>, transform_indices = @transform_3, window_bounds = array<i64: 128, 128>}, {pipeline_mode = #tpu.pipeline_mode<synchronous>, transform_indices = @transform_4, window_bounds = array<i64: 1, 128>}, {transform_indices = @transform_5, window_bounds = array<i64: 2000, 128>}]} {
    %get3A = arith.constant 0 : index
    %get3A_0 = arith.constant 0 : index
    %get3A_1 = arith.constant 0 : index
    %get3A_2 = vector.load %arg1[%get3A, %get3A_0, %get3A_1] : memref<2x2000x128xf32, #tpu.memory_space<vmem>>, vector<1x2000x128xf32>
    %get3A_3 = vector.shape_cast %get3A_2 : vector<1x2000x128xf32> to vector<2000x128xf32>
    %get3A_4 = arith.constant 1 : index
    %get3A_5 = arith.constant 0 : index
    %get3A_6 = arith.constant 0 : index
    %get3A_7 = vector.load %arg1[%get3A_4, %get3A_5, %get3A_6] : memref<2x2000x128xf32, #tpu.memory_space<vmem>>, vector<1x2000x128xf32>
    %get3A_8 = vector.shape_cast %get3A_7 : vector<1x2000x128xf32> to vector<2000x128xf32>
    %add3A = arith.addf %get3A_3, %get3A_8 : vector<2000x128xf32>
    %get3A_9 = arith.constant 0 : index
    %get3A_10 = arith.constant 0 : index
    %get3A_11 = vector.load %arg2[%get3A_9, %get3A_10] : memref<128x128xf32, #tpu.memory_space<vmem>>, vector<128x128xf32>
    %dot_general3A = arith.constant dense<0.000000e+00> : vector<2000x128xf32>
    %dot_general3A_12 = tpu.matmul %add3A, %get3A_11, %dot_general3A {dimension_numbers = #tpu.dot_dimension_numbers<[1], [0], [0], [1], [0, 0, 1, 1], [], []>, transpose_lhs_hint = false} : vector<2000x128xf32>, vector<128x128xf32>, vector<2000x128xf32> -> vector<2000x128xf32>
    %get3A_13 = arith.constant 0 : index
    %get3A_14 = arith.constant 0 : index
    %get3A_15 = vector.load %arg3[%get3A_13, %get3A_14] : memref<1x128xf32, #tpu.memory_space<vmem>>, vector<1x128xf32>
    %add3A_16 = vector.broadcast %get3A_15 : vector<1x128xf32> to vector<2000x128xf32>
    %add3A_17 = arith.addf %dot_general3A_12, %add3A_16 : vector<2000x128xf32>
    %max3A = arith.constant 0.000000e+00 : f32
    %max3A_18 = vector.broadcast %max3A : f32 to vector<2000x128xf32>
    %max3A_19 = arith.maximumf %add3A_17, %max3A_18 : vector<2000x128xf32>
    %get3A_20 = arith.constant 0 : index
    %get3A_21 = arith.constant 0 : index
    %get3A_22 = vector.load %arg4[%get3A_20, %get3A_21] : memref<128x128xf32, #tpu.memory_space<vmem>>, vector<128x128xf32>
    %dot_general3A_23 = arith.constant dense<0.000000e+00> : vector<2000x128xf32>
    %dot_general3A_24 = tpu.matmul %max3A_19, %get3A_22, %dot_general3A_23 {dimension_numbers = #tpu.dot_dimension_numbers<[1], [0], [0], [1], [0, 0, 1, 1], [], []>, transpose_lhs_hint = false} : vector<2000x128xf32>, vector<128x128xf32>, vector<2000x128xf32> -> vector<2000x128xf32>
    %get3A_25 = arith.constant 0 : index
    %get3A_26 = arith.constant 0 : index
    %get3A_27 = vector.load %arg5[%get3A_25, %get3A_26] : memref<1x128xf32, #tpu.memory_space<vmem>>, vector<1x128xf32>
    %add3A_28 = vector.broadcast %get3A_27 : vector<1x128xf32> to vector<2000x128xf32>
    %add3A_29 = arith.addf %dot_general3A_24, %add3A_28 : vector<2000x128xf32>
    %swap3A = arith.constant 0 : index
    %swap3A_30 = arith.constant 0 : index
    %swap3A_31 = vector.load %arg6[%swap3A, %swap3A_30] : memref<2000x128xf32, #tpu.memory_space<vmem>>, vector<2000x128xf32>
    tpu.vector_store %arg6[%swap3A, %swap3A_30], %add3A_29 {strides = array<i32>} : memref<2000x128xf32, #tpu.memory_space<vmem>>, vector<2000x128xf32>,
    return
  }
  func.func @transform_0(%arg0: i32) -> (i32, i32, i32) {
    %c0_i32 = arith.constant 0 : i32
    %c0_i32_0 = arith.constant 0 : i32
    %c0_i32_1 = arith.constant 0 : i32
    return %c0_i32, %arg0, %c0_i32_0 : i32, i32, i32
  }
  func.func @transform_1(%arg0: i32) -> (i32, i32) {
    %c0_i32 = arith.constant 0 : i32
    %c0_i32_0 = arith.constant 0 : i32
    %c0_i32_1 = arith.constant 0 : i32
    return %c0_i32, %c0_i32_0 : i32, i32
  }
  func.func @transform_2(%arg0: i32) -> (i32, i32) {
    %c0_i32 = arith.constant 0 : i32
    %c0_i32_0 = arith.constant 0 : i32
    %c0_i32_1 = arith.constant 0 : i32
    return %c0_i32, %c0_i32_0 : i32, i32
  }
  func.func @transform_3(%arg0: i32) -> (i32, i32) {
    %c0_i32 = arith.constant 0 : i32
    %c0_i32_0 = arith.constant 0 : i32
    %c0_i32_1 = arith.constant 0 : i32
    return %c0_i32, %c0_i32_0 : i32, i32
  }
  func.func @transform_4(%arg0: i32) -> (i32, i32) {
    %c0_i32 = arith.constant 0 : i32
    %c0_i32_0 = arith.constant 0 : i32
    %c0_i32_1 = arith.constant 0 : i32
    return %c0_i32, %c0_i32_0 : i32, i32
  }
  func.func @transform_5(%arg0: i32) -> (i32, i32) {
    %c0_i32 = arith.constant 0 : i32
    %c0_i32_0 = arith.constant 0 : i32
    return %arg0, %c0_i32 : i32, i32
  }
}

</mosaic_0001>

<sc_bundles>
// kernel: kernel.4.cloned.1.call-start
scs
__scs_entry_jumppad:
0x0: {  	(pc) =	sbr.rel $0x88, $3  }
0x1: {  	(tag) =	ssettag $0x0;
	lr =	simm.s32 $0x1  }
0x2: {  	[smem:$0x3F9A] =	sst lr;
	_ =	strace $0xD0000000  }
0x3: {  	_ = 	snop  }
0x4: {  	_ = 	snop  }
0x5: {  	_ = 	snop  }
0x6: {  	_ = 	snop  }
0x7: {  	_ = 	snop  }
__scs_overlays_trampoline_lowered:
0x8: {  	[smem:$0x3FA9] =	sst s0  }
0x9: {  	[smem:$0x3FAA] =	sst s1  }
0xa: {  	[smem:$0x3FAB] =	sst s2  }
0xb: {  	[smem:$0x3FAC] =	sst s3  }
0xc: {  	[smem:$0x3FAD] =	sst s4  }
0xd: {  	[smem:$0x3FAE] =	sst s5  }
0xe: {  	[smem:$0x3FAF] =	sst s6  }
0xf: {  	[smem:$0x3FB0] =	sst s7  }
0x10: {  	[smem:$0x3FB1] =	sst s8  }
0x11: {  	[smem:$0x3FB2] =	sst s9;
	s0 =	simm.s32 @!p0 $0x0  }
0x12: {  	s1 =	sld [smem:$0x3F98];
	s0 =	simm.s32 @p0 $0x1  }
0x13: {  	[smem:$0x3FB3] =	sst s0;
	s0 =	simm.s32 @!p1 $0x0  }
0x14: {  	s2 =	sld [smem:$0x3F97];
	s0 =	simm.s32 @p1 $0x1  }
0x15: {  	[smem:$0x3FB4] =	sst s0;
	s0 =	simm.s32 @!p2 $0x0  }
0x16: {  	s3 =	sld [smem:$0x3FDB];
	s0 =	simm.s32 @p2 $0x1  }
0x17: {  	s4 =	simm.s32 $0x1BF5;
	[smem:$0x3FB6] =	sst s0  }
0x18: {  	s0 =	sld [smem:$0x3F99];
	_ =	swait.ge [sflag:s4], $0x0  }
0x19: {  	s7 =	sld [smem:$0x3F9A]  }
0x1a: {  	s8 =	sadd.s32 $0xFFFFE003, lr  }
0x1b: {  	s9 =	sadd.s32 $0xFFFFFEF7, lr;
	s5 =	simm.s32 $0xFFFFFFFF;
	p2 =	slt.u32 s8, $0xFFFFF086  }
0x1c: {  	p1 =	slt.u32 s9, $0xF7A;
	s5 =	simm.s32 @!p2 $0x0  }
0x1d: {  	s5 =	simm.s32 @p1 $0x1;
	p0 =	seq.s32 s7, s2  }
0x1e: {  	s7 =	smul.u32 @!p0 $0xF7A, s2;
	p2 =	seq.s32 @!p0 s5, $0x0  }
0x1f: {  	s9 =	smul.u32 $0xF7A, s1;
	s8 =	simm.s32 @!p0 $0x1BF5;
	p2 =	por !p2, p0  }
0x20: {  	[sflag:s8] =	ssyncset.s32 @!p0 $0xFFFFF086;
	s6 =	sadd.s32 @!p0 s3, s7;
	s7 =	simm.s32 @!p0 $0x108  }
0x21: {  	s3 =	sadd.s32 s3, s9;
	s6 =	sadd.s32 @!p0 $0x88, s6;
	s7 =	simm.s32 @p2 $0x1082  }
0x22: {  	[simem:s7], [sflag:s8] =	dma.local @!p0 [hbm:s6], $0xF7A  }
0x23: {  	s9 =	sor.u32 $0xD0000000, s2;
	s6 =	simm.s32 $0x108;
	_ =	swait.ge @!p0 [sflag:s8], $0x0  }
0x24: {  	s3 =	sadd.s32 $0x88, s3;
	s6 =	simm.s32 @!p1 $0x1082;
	[sflag:s4] =	ssyncset.s32 $0xFFFFF086  }
0x25: {  	[simem:s6], [sflag:s4] =	dma.local [hbm:s3], $0xF7A  }
0x26: {  	[smem:$0x3F9A] =	sst s1;
	(tag) =	ssettag s2;
	_ =	strace s9  }
0x27: {  	s1 =	sld [smem:$0x3FAA]  }
0x28: {  	s2 =	sld [smem:$0x3FAB]  }
0x29: {  	s4 =	sld [smem:$0x3FAD]  }
0x2a: {  	p0 =	seq.s32 s5, $0x0;
	s5 =	sld [smem:$0x3FAE]  }
0x2b: {  	s6 =	sld [smem:$0x3FAF]  }
0x2c: {  	s7 =	sld [smem:$0x3FB0]  }
0x2d: {  	s3 =	simm.s32 $0x108;
	s8 =	sld [smem:$0x3FB1]  }
0x2e: {  	s3 =	simm.s32 @!p0 $0x1082;
	s9 =	sld [smem:$0x3FB2]  }
0x2f: {  	lr =	sadd.s32 s0, s3;
	s0 =	sld [smem:$0x3FA9]  }
0x30: {  	s3 =	sld [smem:$0x3FAC]  }
0x31: {  	[smem:$0x3FB5] =	sst s10  }
0x32: {  	s10 =	sld [smem:$0x3FB3];
	_ =	sdelay $0x3  }
0x33: {  	p0 =	seq.s32 s10, $0x1;
	s10 =	sld [smem:$0x3FB5];
	_ =	sdelay $0x3  }
0x34: {  	[smem:$0x3FB5] =	sst s10  }
0x35: {  	s10 =	sld [smem:$0x3FB4];
	_ =	sdelay $0x3  }
0x36: {  	p1 =	seq.s32 s10, $0x1;
	s10 =	sld [smem:$0x3FB5];
	_ =	sdelay $0x3  }
0x37: {  	[smem:$0x3FB5] =	sst s10  }
0x38: {  	s10 =	sld [smem:$0x3FB6]  }
0x39: {  	_ = 	snop;
	(pc) =	sbr.ind lr, $3  }
0x3a: {  	_ = 	snop  }
0x3b: {  	_ = 	snop  }
0x3c: {  	p2 =	seq.s32 s10, $0x1;
	s10 =	sld [smem:$0x3FB5]  }
0x3d: {  	_ =	shalt  }
0x3e: {  	_ =	shalt  }
0x3f: {  	_ =	shalt  }
0x40: {  	_ =	shalt  }
0x41: {  	_ =	shalt  }
0x42: {  	_ =	shalt  }
0x43: {  	_ =	shalt  }
0x44: {  	_ =	shalt  }
0x45: {  	_ =	shalt  }
0x46: {  	_ =	shalt  }
0x47: {  	_ =	shalt  }
0x48: {  	_ =	shalt  }
0x49: {  	_ =	shalt  }
0x4a: {  	_ =	shalt  }
0x4b: {  	_ =	shalt  }
0x4c: {  	_ =	shalt  }
0x4d: {  	_ =	shalt  }
0x4e: {  	_ =	shalt  }
0x4f: {  	_ =	shalt  }
0x50: {  	_ =	shalt  }
0x51: {  	_ =	shalt  }
0x52: {  	_ =	shalt  }
0x53: {  	_ =	shalt  }
0x54: {  	_ =	shalt  }
0x55: {  	_ =	shalt  }
0x56: {  	_ =	shalt  }
0x57: {  	_ =	shalt  }
0x58: {  	_ =	shalt  }
0x59: {  	_ =	shalt  }
0x5a: {  	_ =	shalt  }
0x5b: {  	_ =	shalt  }
0x5c: {  	_ =	shalt  }
0x5d: {  	_ =	shalt  }
0x5e: {  	_ =	shalt  }
0x5f: {  	_ =	shalt  }
0x60: {  	_ =	shalt  }
0x61: {  	_ =	shalt  }
0x62: {  	_ =	shalt  }
0x63: {  	_ =	shalt  }
0x64: {  	_ =	shalt  }
0x65: {  	_ =	shalt  }
0x66: {  	_ =	shalt  }
0x67: {  	_ =	shalt  }
0x68: {  	_ =	shalt  }
0x69: {  	_ =	shalt  }
0x6a: {  	_ =	shalt  }
0x6b: {  	_ =	shalt  }
0x6c: {  	_ =	shalt  }
0x6d: {  	_ =	shalt  }
0x6e: {  	_ =	shalt  }
0x6f: {  	_ =	shalt  }
0x70: {  	_ =	shalt  }
0x71: {  	_ =	shalt  }
0x72: {  	_ =	shalt  }
0x73: {  	_ =	shalt  }
0x74: {  	_ =	shalt  }
0x75: {  	_ =	shalt  }
0x76: {  	_ =	shalt  }
0x77: {  	_ =	shalt  }
0x78: {  	_ =	shalt  }
0x79: {  	_ =	shalt  }
0x7a: {  	_ =	shalt  }
0x7b: {  	_ =	shalt  }
0x7c: {  	_ =	shalt  }
0x7d: {  	_ =	shalt  }
0x7e: {  	_ =	shalt  }
0x7f: {  	_ =	shalt  }
0x80: {  	_ =	shalt  }
0x81: {  	_ =	shalt  }
0x82: {  	_ =	shalt  }
0x83: {  	_ =	shalt  }
0x84: {  	_ =	shalt  }
0x85: {  	_ =	shalt  }
0x86: {  	_ =	shalt  }
0x87: {  	_ =	shalt  }
.Lfunc_end0:
.L_simem_size_0:
called_computation_lowered:
.L_overlay_start_0:
0x88: {  	s2 =	sld [smem:$0x3FD9]  }
0x89: {  	s3 =	sld [smem:$0x3FFE];
	_ =	sdelay $0x1  }
0x8a: {  	s1 =	srdreg.scid  }
0x8b: {  	s0 =	sand.u32 $0x1, s1  }
0x8c: {  	s17 =	sshll.u32 s0, $0xA;
	s2 =	sadd.s32 s3, s2  }
0x8d: {  	s2 =	sadd.s32 s2, s17  }
0x8e: {  	[smem:$0x3FC1] =	sst s2  }
0x8f: {  	_ = 	snop  }
0x90: {  	s2 =	sld [smem:$0x3FC9]  }
0x91: {  	s18 =	sld [smem:$0x3FC8]  }
0x92: {  	s4 =	sld [smem:$0x3FD0];
	(tm) =	ssettm $0x1  }
0x93: {  	s5 =	sld [smem:$0x3FFB];
	_ =	sdelay $0x3  }
0x94: {  	_ =	strace s5  }
0x95: {  	s5 =	sld [smem:$0x3FFC];
	_ =	sdelay $0x3  }
0x96: {  	_ =	strace s5  }
0x97: {  	s5 =	sld [smem:$0x3FFD];
	_ =	sdelay $0x3  }
0x98: {  	_ =	strace s5  }
0x99: {  	_ =	strace $0x8FFFFFFF  }
0x9a: {  	s19 =	sld [smem:$0x3FDB];
	_ =	sdelay $0x1  }
0x9b: {  	s6 =	simm.s32 $_scs_section_size  }
0x9c: {  	s7 =	simm.s32 $_size__tile_overlayer_lowered;
	s8 =	simm.s32 $_tile_overlayer_lowered  }
0x9d: {  	s22 =	simm.s32 $0x1BFF;
	s21 =	sshll.u32 s8, $0x1;
	s5 =	sadd.s32 s6, s19  }
0x9e: {  	s9 =	simm.s32 $0x0;
	s20 =	sshll.u32 s7, $0x1;
	s7 =	sadd.s32 s21, s5  }
0x9f: {  	[timem:s9], [sflag:s22] =	dma.local [hbm:s7], s20  }
0xa0: {  	_ =	swait.ge [sflag:s22], s20  }
0xa1: {  	s6 =	ssub.s32 $0x0, s20;
	[sflag:s22] =	ssyncset.done $0x0  }
0xa2: {  	[sflag:s22] =	ssyncadd.s32 s6;
	_ =	sdelay $0x1  }
0xa3: {  	s23 =	simm.s32 $0x1B8B  }
0xa4: {  	_ =	swait.ge [sflag:s23], $0x1  }
0xa5: {  	[sflag:s23] =	ssyncset.done $0x0  }
0xa6: {  	s25 =	simm.s32 $0x1B8E;
	s24 =	sld [smem:$0x3FFE];
	[sflag:s23] =	ssyncadd.s32 $0xFFFFFFFF  }
0xa7: {  	s26 =	simm.s32 $execute0_lowered;
	[smem:$0x3FD2] =	sst s25  }
0xa8: {  	s7 =	sshll.u32 s26, $0x1;
	_ =	strace $0x80000046;
	[dreg:$0x1] =	wrdreg $0xFFFFFFFF  }
0xa9: {  	s28 =	simm.s32 $_size_execute0_lowered;
	s5 =	sadd.s32 s5, s7;
	[dreg:$0x0] =	wrdreg $0x0  }
0xaa: {  	s7 =	sshll.u32 s28, $0x1;
	[dreg:$0x2] =	wrdreg s5  }
0xab: {  	[dreg:$0x3] =	wrdreg s7  }
0xac: {  	[dreg:$0x4] =	wrdreg $0xC0  }
0xad: {  	_ =	task [dreg:s9], $0x5FFFF  }
0xae: {  	[dreg:$0x1] =	wrdreg $0xFFFFFFFF  }
0xaf: {  	[dreg:$0x0] =	wrdreg $0x60  }
0xb0: {  	[dreg:$0x2] =	wrdreg s2  }
0xb1: {  	[dreg:$0x3] =	wrdreg s18  }
0xb2: {  	[dreg:$0x4] =	wrdreg s4  }
0xb3: {  	[dreg:$0x5] =	wrdreg s24  }
0xb4: {  	[dreg:$0x6] =	wrdreg $0x82000  }
0xb5: {  	[dreg:$0x7] =	wrdreg $0x9  }
0xb6: {  	_ =	task.clear_ibuf [dreg:s9], $0x8FFFF;
	_ =	strace $0x90000046  }
0xb7: {  	s29 =	simm.s32 $0x9;
	_ =	strace $0x80000048  }
0xb8: {  	_ =	swait.ge [sflag:s29], $0x1  }
0xb9: {  	[sflag:s29] =	ssyncadd.s32 $0xFFFFFFFF  }
0xba: {  	_ =	strace $0x90000048  }
0xbb: {  	_ =	sfence  }
0xbc: {  	s30 =	sld [smem:$0x0];
	_ =	sdelay $0x2  }
0xbd: {  	s31 =	sshll.u32 s1, $0xD;
	s1 =	sshrl.u32 s1, $0x2  }
0xbe: {  	s3 =	sand.u32 $0x4000, s31;
	s1 =	sadd.s32 s1, s30  }
0xbf: {  	s0 =	sor.u32 s3, s0;
	s1 =	sshll.u32 s1, $0x11  }
0xc0: {  	s0 =	sor.u32 s1, s0  }
0xc1: {  	s0 =	sadd.s32 $0x8F2B, s0  }
0xc2: {  	[sflag:s0] =	ssyncadd.remote.s32 $0x1  }
0xc3: {  	_ =	sfence.sel $0xFFFF  }
0xc4: {  	[dreg:$0x0] =	wrdreg $0xFFFFFFFF;
	(pc) =	sbr.abs _section_cstart, $3  }
0xc5: {  	[dreg:$0x1] =	wrdreg $0xFFFFFFFF  }
0xc6: {  	_ =	task.clear_ibuf [dreg:s9], $0x2FFFF;
	_ =	strace $0x9FFFFFFF  }
0xc7: {  	(tm) =	ssettm $0x7FFFFFFF  }
tec
execute0_lowered:
.L_overlay_start_1:
0x0: {  	(tag) =	ssettag $0x1  }
0x1: {  	s0 =	rddreg [dreg:$0x0]  }
0x2: {  	s11 =	rddreg [dreg:$0x1]  }
0x3: {  	s2 =	rddreg [dreg:$0x2]  }
0x4: {  	s6 =	rddreg [dreg:$0x3]  }
0x5: {  	s4 =	rddreg [dreg:$0x4]  }
0x6: {  	s1 =	srdreg.scid;
	s3 =	rddreg [dreg:$0x5];
	s5 =	simm.s32 $0x0  }
0x7: {  	s16 =	simm.s32 $0x200;
	s17 =	simm.s32 $0x100;
	s18 =	simm.s32 $0x2  }
0x8: {  	s19 =	simm.s32 $0x4200;
	s20 =	simm.s32 $0x1;
	s21 =	simm.s32 $0x4  }
0x9: {  	s22 =	simm.s32 $0x180;
	s7 =	sand.u32 $0x1, s1;
	s1 =	stileid.u32  }
0xa: {  	s24 =	simm.s32 $0x0;
	[smem:$0x7FF] =	sst s5;
	s8 =	smul.u32 $0x13C000, s7  }
0xb: {  	s9 =	smul.u32 $0x13C00, s1;
	_ =	strace $0x80000047;
	s28 =	ssub.s32 $0x2, s7  }
0xc: {  	s10 =	smul.u32 $0x4F000, s1;
	s23 =	sshll.u32 s1, $0x6;
	s12 =	sshll.u32 s7, $0x5  }
0xd: {  	p0 =	sgt.u32 s1, $0x1;
	s29 =	sshrl.u32 s28, $0x1;
	s7 =	sor.u32 s12, s23  }
0xe: {  	s31 =	sadd.s32 s23, s11;
	s8 =	sadd.s32 s9, s8;
	s14 =	ssub.s32 s28, s29  }
0xf: {  	s30 =	sshrl.u32 s10, $0x2;
	s12 =	sadd.s32 s12, s31;
	s8 =	sshrl.u32 s8, $0x3  }
0x10: {  	s15 =	sadd.s32 s30, s4;
	s13 =	sadd.s32 s8, s6;
	s6 =	sadd.s32 s11, s7  }
0x11: {  	s7 =	sor.u32 $0x1C02, s23;
	s11 =	smax.u32 s14, $0x1;
	s14 =	simm.s32 $0x3  }
0x12: {  	s23 =	sor.u32 $0x1C03, s23;
	s8 =	sadd.s32 $0x400, s6;
	s9 =	sadd.s32 $0x13800, s6  }
0x13: {  	s10 =	sadd.s32 $0xE00, s13;
	s13 =	sshrl.u32 s15, $0x3;
	s15 =	simm.s32 $0x80  }
.LBB2_1:
0x14: {  	[spmem:s13], [sflag:s7] =	dma.local [hbm:s2], $0x2780  }
0x15: {  	[tilespmem:s5], [sflag:$0x3] =	stream.linear.gather [hbm4b:s6+s5], $0x100, $0x38;
	[tilespmem:$0x1BE00] =	vst v63  }
0x16: {  	_ =	swait.ge [sflag:s14], $0x100  }
0x17: {  	[sflag:s14] =	ssyncset.done $0x0  }
0x18: {  	[sflag:s14] =	ssyncadd.s32 $0xFFFFFF00  }
0x19: {  	[tilespmem:s16], [sflag:$0x1] =	stream.indirect.gather [hbm4b:s0+s15], $0x80, s5, s15, $0xb8;
	[tilespmem:$0x1BE00] =	vst v63  }
0x1a: {  	_ = 	snop  }
0x1b: {  	[tilespmem:s17], [sflag:$0x3] =	stream.linear.gather [hbm4b:s8+s5], $0x100, $0x38;
	[tilespmem:$0x1BE00] =	vst v63  }
0x1c: {  	_ =	swait.ge [sflag:s14], $0x100  }
0x1d: {  	[sflag:s14] =	ssyncset.done $0x0  }
0x1e: {  	[sflag:s14] =	ssyncadd.s32 $0xFFFFFF00  }
0x1f: {  	_ =	swait.ge [sflag:s18], $0x2780  }
0x20: {  	[sflag:s18] =	ssyncset.done $0x0  }
0x21: {  	[sflag:s18] =	ssyncadd.s32 $0xFFFFD880  }
0x22: {  	[bflag:$0x0] =	sbarrier.arrive $0xFFFF  }
0x23: {  	[tilespmem:s19], [sflag:$0x2] =	stream.indirect.gather [hbm4b:s0+s15], $0x80, s17, s15, $0xb8;
	[tilespmem:$0x1BE00] =	vst v63  }
0x24: {  	_ =	swait.ge [sflag:s20], $0x4000  }
0x25: {  	[sflag:s20] =	ssyncset.done $0x0  }
0x26: {  	[sflag:s20] =	ssyncadd.s32 $0xFFFFC000  }
0x27: {  	[spmem:s4] =	stream.indirect.scatter.add.f32 [tilespmem:s16], [sflag:$0x4], $0x80, s15, s15, $0xb8;
	[tilespmem:$0x1BE00] =	vst v63  }
0x28: {  	_ =	swait.ge [sflag:s21], $0x4000  }
0x29: {  	s25 =	sadd.s32 $0xFFFED000, s12;
	[sflag:s21] =	ssyncset.done $0x0  }
0x2a: {  	s26 =	sadd.s32 $0x13800, s25;
	[sflag:s21] =	ssyncadd.s32 $0xFFFFC000  }
0x2b: {  	[tilespmem:s5], [sflag:$0x4] =	stream.linear.gather [hbm4b:s26+s5], $0x100, $0x38;
	[tilespmem:$0x1BE00] =	vst v63  }
0x2c: {  	_ =	swait.ge [sflag:s21], $0x100  }
0x2d: {  	[sflag:s21] =	ssyncset.done $0x0  }
0x2e: {  	[sflag:s21] =	ssyncadd.s32 $0xFFFFFF00  }
0x2f: {  	[tilespmem:s16], [sflag:$0x1] =	stream.indirect.gather [hbm4b:s0+s15], $0x80, s5, s15, $0xb8;
	[tilespmem:$0x1BE00] =	vst v63  }
0x30: {  	_ =	swait.ge [sflag:s18], $0x4000  }
0x31: {  	[sflag:s18] =	ssyncset.done $0x0  }
0x32: {  	[sflag:s18] =	ssyncadd.s32 $0xFFFFC000  }
0x33: {  	[spmem:s4] =	stream.indirect.scatter.add.f32 [tilespmem:s19], [sflag:$0x4], $0x80, s22, s15, $0xb8;
	[tilespmem:$0x1BE00] =	vst v63  }
0x34: {  	_ =	swait.ge [sflag:s21], $0x4000  }
0x35: {  	[sflag:s21] =	ssyncset.done $0x0  }
0x36: {  	s25 =	sadd.s32 $0x13C00, s25;
	[sflag:s21] =	ssyncadd.s32 $0xFFFFC000  }
0x37: {  	[tilespmem:s17], [sflag:$0x3] =	stream.linear.gather [hbm4b:s25+s5], $0x100, $0x38;
	[tilespmem:$0x1BE00] =	vst v63  }
0x38: {  	_ =	swait.ge [sflag:s14], $0x100  }
0x39: {  	s25 =	simm.s32 $0xFFFED800;
	[sflag:s14] =	ssyncset.done $0x0  }
.LBB2_2:
0x3a: {  	p1 =	sne.s32 s25, $0xFFFFF800  }
0x3b: {  	[sflag:s14] =	ssyncadd.s32 $0xFFFFFF00;
	s26 =	smov.u32 s25;
	s25 =	sadd.s32 $0x800, s25  }
0x3c: {  	[tilespmem:s19], [sflag:$0x2] =	stream.indirect.gather [hbm4b:s0+s15], $0x80, s17, s15, $0xb8;
	[tilespmem:$0x1BE00] =	vst v63  }
0x3d: {  	_ =	swait.ge [sflag:s20], $0x4000  }
0x3e: {  	[sflag:s20] =	ssyncset.done $0x0  }
0x3f: {  	[sflag:s20] =	ssyncadd.s32 $0xFFFFC000  }
0x40: {  	[spmem:s4] =	stream.indirect.scatter.add.f32 [tilespmem:s16], [sflag:$0x4], $0x80, s15, s15, $0xb8;
	[tilespmem:$0x1BE00] =	vst v63  }
0x41: {  	_ =	swait.ge [sflag:s21], $0x4000  }
0x42: {  	s26 =	sadd.s32 s26, s12;
	[sflag:s21] =	ssyncset.done $0x0  }
0x43: {  	s28 =	sadd.s32 $0x13800, s26;
	[sflag:s21] =	ssyncadd.s32 $0xFFFFC000  }
0x44: {  	[tilespmem:s5], [sflag:$0x4] =	stream.linear.gather [hbm4b:s28+s5], $0x100, $0x38;
	[tilespmem:$0x1BE00] =	vst v63  }
0x45: {  	_ =	swait.ge [sflag:s21], $0x100  }
0x46: {  	[sflag:s21] =	ssyncset.done $0x0  }
0x47: {  	[sflag:s21] =	ssyncadd.s32 $0xFFFFFF00  }
0x48: {  	[tilespmem:s16], [sflag:$0x1] =	stream.indirect.gather [hbm4b:s0+s15], $0x80, s5, s15, $0xb8;
	[tilespmem:$0x1BE00] =	vst v63  }
0x49: {  	_ =	swait.ge [sflag:s18], $0x4000  }
0x4a: {  	[sflag:s18] =	ssyncset.done $0x0  }
0x4b: {  	[sflag:s18] =	ssyncadd.s32 $0xFFFFC000  }
0x4c: {  	[spmem:s4] =	stream.indirect.scatter.add.f32 [tilespmem:s19], [sflag:$0x4], $0x80, s22, s15, $0xb8;
	[tilespmem:$0x1BE00] =	vst v63  }
0x4d: {  	_ =	swait.ge [sflag:s21], $0x4000  }
.Ltmp0:
0x4e: {  	[sflag:s21] =	ssyncset.done $0x0;
	(pc) =	sbr.rel @p1 .LBB2_2-.Ltmp0, $4  }
0x4f: {  	s26 =	sadd.s32 $0x13C00, s26;
	[sflag:s21] =	ssyncadd.s32 $0xFFFFC000  }
0x50: {  	[tilespmem:s17], [sflag:$0x3] =	stream.linear.gather [hbm4b:s26+s5], $0x100, $0x38;
	[tilespmem:$0x1BE00] =	vst v63  }
0x51: {  	_ =	swait.ge [sflag:s14], $0x100  }
0x52: {  	[sflag:s14] =	ssyncset.done $0x0  }
0x53: {  	[sflag:s14] =	ssyncadd.s32 $0xFFFFFF00  }
0x54: {  	[tilespmem:s19], [sflag:$0x2] =	stream.indirect.gather [hbm4b:s0+s15], $0x80, s17, s15, $0xb8;
	[tilespmem:$0x1BE00] =	vst v63  }
0x55: {  	_ =	swait.ge [sflag:s20], $0x4000  }
0x56: {  	[sflag:s20] =	ssyncset.done $0x0  }
0x57: {  	[sflag:s20] =	ssyncadd.s32 $0xFFFFC000  }
0x58: {  	[spmem:s4] =	stream.indirect.scatter.add.f32 [tilespmem:s16], [sflag:$0x4], $0x80, s15, s15, $0xb8;
	[tilespmem:$0x1BE00] =	vst v63  }
0x59: {  	_ =	swait.ge [sflag:s21], $0x4000  }
0x5a: {  	[sflag:s21] =	ssyncset.done $0x0  }
0x5b: {  	[sflag:s21] =	ssyncadd.s32 $0xFFFFC000  }
0x5c: {  	_ =	swait.ge [sflag:s18], $0x4000  }
0x5d: {  	[sflag:s18] =	ssyncset.done $0x0  }
0x5e: {  	[sflag:s18] =	ssyncadd.s32 $0xFFFFC000  }
0x5f: {  	[spmem:s4] =	stream.indirect.scatter.add.f32 [tilespmem:s19], [sflag:$0x4], $0x80, s22, s15, $0xb8;
	[tilespmem:$0x1BE00] =	vst v63  }
0x60: {  	_ =	swait.ge [sflag:s21], $0x4000  }
0x61: {  	[sflag:s21] =	ssyncset.done $0x0  }
0x62: {  	s25 =	simm.s32 @!p0 $0x0;
	s26 =	simm.s32 @!p0 $0x3;
	[sflag:s21] =	ssyncadd.s32 $0xFFFFC000  }
0x63: {  	[tilespmem:s25], [sflag:$0x3] =	stream.linear.gather @!p0 [hbm4b:s9+s25], $0x100, $0x38;
	[tilespmem:$0x1BE00] =	vst v63  }
0x64: {  	_ =	swait.ge @!p0 [sflag:s26], $0x100  }
0x65: {  	[sflag:s26] =	ssyncset.done @!p0 $0x0  }
0x66: {  	s28 =	simm.s32 @!p0 $0x80;
	s29 =	simm.s32 @!p0 $0x200;
	[sflag:s26] =	ssyncadd.s32 @!p0 $0xFFFFFF00  }
0x67: {  	[tilespmem:s29], [sflag:$0x1] =	stream.indirect.gather @!p0 [hbm4b:s0+s28], $0x80, s25, s28, $0xb8;
	[tilespmem:$0x1BE00] =	vst v63  }
0x68: {  	s25 =	simm.s32 @!p0 $0x1  }
0x69: {  	_ =	swait.ge @!p0 [sflag:s25], $0x4000  }
0x6a: {  	[sflag:s25] =	ssyncset.done @!p0 $0x0  }
0x6b: {  	[sflag:s25] =	ssyncadd.s32 @!p0 $0xFFFFC000  }
0x6c: {  	[spmem:s4] =	stream.indirect.scatter.add.f32 @!p0 [tilespmem:s29], [sflag:$0x3], $0x80, s28, s28, $0xb8;
	[tilespmem:$0x1BE00] =	vst v63  }
0x6d: {  	_ =	swait.ge @!p0 [sflag:s26], $0x4000  }
0x6e: {  	s24 =	sadd.s32 $0x1, s24;
	[sflag:s26] =	ssyncset.done @!p0 $0x0  }
0x6f: {  	p1 =	sne.s32 s24, s11;
	[sflag:s26] =	ssyncadd.s32 @!p0 $0xFFFFC000  }
.Ltmp1:
0x70: {  	[bflag:$0x0] =	sbarrier.arrive $0xFFFF;
	(pc) =	sbr.rel @p1 .LBB2_1-.Ltmp1, $4  }
0x71: {  	[hbm:s10], [sflag:s23] =	dma.local [spmem:s13], $0x2780  }
0x72: {  	_ =	swait.ge [sflag:s14], $0x2780  }
0x73: {  	[sflag:s14] =	ssyncset.done $0x0  }
0x74: {  	[sflag:s14] =	ssyncadd.s32 $0xFFFFD880  }
0x75: {  	_ =	sfence.sel $0x180000  }
0x76: {  	[bflag:$0x0] =	sbarrier.arrive $0xFFFF  }
0x77: {  	p0 =	sne.s32 s1, $0x0;
	_ =	strace $0x90000047  }
0x78: {  	s0 =	sadd.s32 @!p0 $0x100000, s3;
	[bflag:$0x2] =	sbarrier.arrive $0xFFFF  }
0x79: {  	[sflag:s0] =	ssyncadd.tile.s32 @!p0 $0x1;
	_ =	shalt  }
.Lfunc_end2:
_tile_overlayer_lowered:
.L_overlay_start_2:
0x7a: {  	(tag) =	ssettag $0x2  }
0x7b: {  	s0 =	rddreg [dreg:$0x0];
	s2 =	stileid.u32  }
0x7c: {  	s1 =	rddreg [dreg:$0x1];
	p0 =	sne.s32 s2, $0x0  }
0x7d: {  	s3 =	rddreg [dreg:$0x2];
	[bflag:$0x3] =	sbarrier.arrive $0xFFFF;
	s2 =	simm.s32 @!p0 $0x1C03  }
0x7e: {  	[timem:s3], [sflag:s2] =	dma.local @!p0 [hbm:s0], s1  }
0x7f: {  	s0 =	simm.s32 @!p0 $0x3  }
0x80: {  	_ =	swait.ge @!p0 [sflag:s0], s1  }
0x81: {  	s1 =	ssub.s32 @!p0 $0x0, s1;
	[sflag:s0] =	ssyncset.done @!p0 $0x0  }
0x82: {  	[sflag:s0] =	ssyncadd.s32 @!p0 s1  }
0x83: {  	[bflag:$0x3] =	sbarrier.arrive $0xFFFF  }
0x84: {  	_ =	shalt  }

</sc_bundles>
